<compile_context>
chip_gen: v7x
topology: tpu7x:2x2x1
jax: 0.10.2.dev20260603
libtpu: 0.0.44.dev20260713+nightly
codegen_flags: <defaults>
</compile_context>

<pallas_src>
import functools

import jax
import jax.numpy as jnp
from jax import lax
from jax.experimental import pallas as pl
from jax.experimental.pallas import tpu as pltpu
from jax.experimental.pallas import tpu_sc as plsc

N_NODES = 10000
D_FEAT = 128
N_EDGES = 320000

NC = 2
NS = 16
N_TILES = NC * NS

EDGES_PER_TILE = N_EDGES // N_TILES
CHUNK = 80
ITERS = EDGES_PER_TILE // CHUNK
RING = 3
GRP = (ITERS - 2) // RING - 1
N_PAD = N_NODES
ROWS_PER_TILE = N_PAD // NS


def _sc_scatter_add(x, edge3, zeros):
  mesh = plsc.VectorSubcoreMesh(core_axis_name="c", subcore_axis_name="s")

  @functools.partial(
      pl.kernel,
      mesh=mesh,
      compiler_params=pltpu.CompilerParams(use_tc_tiling_on_sc=False),
      out_type=jax.ShapeDtypeStruct((NC, N_PAD, D_FEAT), jnp.float32),
      scratch_types=[
          pltpu.VMEM((ITERS, CHUNK), jnp.int32),
          pltpu.VMEM((ITERS, CHUNK), jnp.int32),
          [pltpu.VMEM((CHUNK, D_FEAT), jnp.float32) for _ in range(RING)],
          pltpu.VMEM_SHARED((N_PAD, D_FEAT), jnp.float32),
          [pltpu.SemaphoreType.DMA for _ in range(RING)],
          [pltpu.SemaphoreType.DMA for _ in range(RING)],
      ],
  )
  def body(x_hbm, e_hbm, zeros_hbm, out_hbm, sidx, didx, rows, ysh, gsem, ssem):
    c = lax.axis_index("c")
    s = lax.axis_index("s")
    wid = c * NS + s
    row0 = pl.multiple_of(s * ROWS_PER_TILE, 8)
    pltpu.sync_copy(zeros_hbm, ysh.at[pl.ds(row0, ROWS_PER_TILE)])
    pltpu.sync_copy(e_hbm.at[0].at[wid], sidx)
    pltpu.sync_copy(e_hbm.at[1].at[wid], didx)

    def fire_g(i, j):
      pltpu.async_copy(x_hbm.at[sidx.at[i]], rows[j], gsem[j])

    def wait_g(i, j):
      pltpu.make_async_copy(x_hbm.at[sidx.at[i]], rows[j], gsem[j]).wait()

    def fire_s(i, j):
      pltpu.async_copy(rows[j], ysh.at[didx.at[i]], ssem[j], add=True)

    def wait_s(i, j):
      pltpu.make_async_copy(rows[j], ysh.at[didx.at[i]], ssem[j]).wait()

    fire_g(0, 0)
    fire_g(1, 1)
    plsc.subcore_barrier()

    wait_g(0, 0)
    fire_s(0, 0)
    fire_g(2, 2)
    wait_g(1, 1)
    fire_s(1, 1)
    wait_s(0, 0)
    fire_g(3, 0)

    def step(i, sj):
      wait_g(i, sj)
      fire_s(i, sj)
      wait_s(i - 1, (sj + 2) % RING)
      fire_g(i + 2, (sj + 2) % RING)

    def group(g, carry):
      i0 = 2 + RING * g
      for j in range(RING):
        step(i0 + j, (2 + j) % RING)
      return carry

    lax.fori_loop(0, GRP, group, 0)

    i0 = ITERS - RING
    wait_g(i0, i0 % RING)
    fire_s(i0, i0 % RING)
    wait_s(i0 - 1, (i0 + 2) % RING)
    fire_g(i0 + 2, (i0 + 2) % RING)
    wait_g(i0 + 1, (i0 + 1) % RING)
    fire_s(i0 + 1, (i0 + 1) % RING)
    wait_s(i0, i0 % RING)
    wait_g(i0 + 2, (i0 + 2) % RING)
    fire_s(i0 + 2, (i0 + 2) % RING)
    wait_s(i0 + 1, (i0 + 1) % RING)
    wait_s(i0 + 2, (i0 + 2) % RING)

    plsc.subcore_barrier()
    pltpu.sync_copy(ysh.at[pl.ds(row0, ROWS_PER_TILE)],
                    out_hbm.at[c].at[pl.ds(row0, ROWS_PER_TILE)])

  return body(x, edge3, zeros)


def _tc_linear(y2, W, b):
  BM = 2000

  def body(y_ref, w_ref, b_ref, o_ref):
    ysum = y_ref[0] + y_ref[1]
    o_ref[...] = lax.dot_general(
        ysum, w_ref[...], (((1,), (1,)), ((), ())),
        preferred_element_type=jnp.float32) + b_ref[...]

  return pl.pallas_call(
      body,
      grid=(N_NODES // BM,),
      in_specs=[
          pl.BlockSpec((NC, BM, D_FEAT), lambda i: (0, i, 0)),
          pl.BlockSpec((D_FEAT, D_FEAT), lambda i: (0, 0)),
          pl.BlockSpec((1, D_FEAT), lambda i: (0, 0)),
      ],
      out_specs=pl.BlockSpec((BM, D_FEAT), lambda i: (i, 0)),
      out_shape=jax.ShapeDtypeStruct((N_NODES, D_FEAT), jnp.float32),
  )(y2, W, b.reshape(1, D_FEAT))


def kernel(x, edge_index, W, b):
  if edge_index.dtype != jnp.int32:
    edge_index = edge_index.astype(jnp.int32)
  edge3 = edge_index.reshape(2, N_TILES, ITERS, CHUNK)
  zeros = jnp.zeros((ROWS_PER_TILE, D_FEAT), jnp.float32)
  y2 = _sc_scatter_add(x, edge3, zeros)
  return _tc_linear(y2, W, b)

# --- scband reference (transcript-rebuilt; emitter-appended) ---
"""Pipeline reference for scband-graph-conv-6536940224557 (READ-ONLY COPY).

The authoritative reference and input builder live on the scoring server;
editing this copy changes nothing except your own understanding.
"""

import jax, jax.numpy as jnp
import numpy as np

N_NODES = 10000
N_EDGES = 320000
D_FEAT = 128
N_CLASSES = 128

def setup_inputs(seed: int = 0) -> dict:
    key = jax.random.key(seed)
    k1, k2, k3, k4 = jax.random.split(key, 4)
    x = jax.random.normal(k1, (N_NODES, D_FEAT), dtype=jnp.float32)
    edge_index = jax.random.randint(k2, (2, N_EDGES), 0, N_NODES, dtype=jnp.int64)
    # nn.Linear(in_feats, n_classes): weight [n_classes, in_feats], bias [n_classes]
    bound = 1.0 / np.sqrt(D_FEAT)
    W = jax.random.uniform(k3, (N_CLASSES, D_FEAT), dtype=jnp.float32, minval=-bound, maxval=bound)
    b = jax.random.uniform(k4, (N_CLASSES,), dtype=jnp.float32, minval=-bound, maxval=bound)
    return {"x": x, "edge_index": edge_index, "W": W, "b": b}

def reference(x, edge_index, W, b):
    # DGL: g.update_all(fn.copy_u('x','m'), fn.sum('m','y')) == scatter-add of x[src] into dst
    src = edge_index[0]
    dst = edge_index[1]
    msgs = jnp.take(x, src, axis=0)                      # gather (copy_u)
    y = jnp.zeros((x.shape[0], x.shape[1]), dtype=x.dtype).at[dst].add(msgs)  # scatter-add (sum)
    # self.W(y): nn.Linear
    out = y @ W.T + b
    return out

if __name__ == "__main__":
    import jax
    _d = setup_inputs()
    print(jax.jit(kernel)(*tuple(_d.values())))

</pallas_src>

<mosaic_0001>
#map = affine_map<(d0, d1) -> (0, 0)>
#map1 = affine_map<(d0, d1) -> (0, 0, 0, 0)>
#map2 = affine_map<(d0, d1) -> (0, 0, 0)>
module attributes {stable_mosaic.version = 14 : i64} {
  func.func @body(%arg0: i32, %arg1: i32, %arg2: memref<10000x128xf32, #tpu.memory_space<hbm>>, %arg3: memref<2x32x125x80xi32, #tpu.memory_space<hbm>>, %arg4: memref<625x128xf32, #tpu.memory_space<hbm>>, %arg5: memref<2x10000x128xf32, #tpu.memory_space<hbm>>, %arg6: memref<125x80xi32, #tpu.memory_space<vmem>>, %arg7: memref<125x80xi32, #tpu.memory_space<vmem>>, %arg8: memref<80x128xf32, #tpu.memory_space<vmem>>, %arg9: memref<80x128xf32, #tpu.memory_space<vmem>>, %arg10: memref<80x128xf32, #tpu.memory_space<vmem>>, %arg11: memref<10000x128xf32, #tpu.memory_space<vmem_shared>>, %arg12: memref<!tpu.dma_semaphore, #tpu.memory_space<semaphore_mem>>, %arg13: memref<!tpu.dma_semaphore, #tpu.memory_space<semaphore_mem>>, %arg14: memref<!tpu.dma_semaphore, #tpu.memory_space<semaphore_mem>>, %arg15: memref<!tpu.dma_semaphore, #tpu.memory_space<semaphore_mem>>, %arg16: memref<!tpu.dma_semaphore, #tpu.memory_space<semaphore_mem>>, %arg17: memref<!tpu.dma_semaphore, #tpu.memory_space<semaphore_mem>>) attributes {dimension_semantics = [#tpu.dimension_semantics<core_parallel>, #tpu.dimension_semantics<subcore_parallel>], iteration_bounds = array<i64: 2, 16>, scalar_prefetch = 0 : i64, scratch_operands = 12 : i64, tpu.core_type = #tpu.core_type<sc_vector_subcore>, window_params = [{transform_indices = #map}, {transform_indices = #map1}, {transform_indices = #map}, {transform_indices = #map2}]} {
    %mul3A = arith.constant 16 : i32
    %mul3A_0 = arith.muli %arg0, %mul3A : i32
    %add3A = arith.addi %mul3A_0, %arg1 : i32
    %mul3A_1 = arith.constant 625 : i32
    %mul3A_2 = arith.muli %arg1, %mul3A_1 : i32
    %multiple_of3A = tpu.assume_multiple %mul3A_2, 8 : i32
    "tpu.region"() ({
      %run_scoped3A_148 = tpu.sem_alloc : memref<!tpu.dma_semaphore, #tpu.memory_space<semaphore_mem>>
      %dma_start3A_149 = arith.constant 0 : i32
      %dma_start3A_150 = tpu.memref_slice %arg11[%multiple_of3A, %dma_start3A_149] : memref<10000x128xf32, #tpu.memory_space<vmem_shared>> -> memref<625x128xf32, #tpu.memory_space<vmem_shared>>
      tpu.enqueue_dma source(%arg4 : memref<625x128xf32, #tpu.memory_space<hbm>>) target(%dma_start3A_150 : memref<625x128xf32, #tpu.memory_space<vmem_shared>>) target_semaphore(%run_scoped3A_148 : memref<!tpu.dma_semaphore, #tpu.memory_space<semaphore_mem>>)
      %dma_wait3A_151 = arith.constant 0 : i32
      %dma_wait3A_152 = tpu.memref_slice %arg11[%multiple_of3A, %dma_wait3A_151] : memref<10000x128xf32, #tpu.memory_space<vmem_shared>> -> memref<625x128xf32, #tpu.memory_space<vmem_shared>>
      tpu.wait_dma2 semaphore(%run_scoped3A_148 : memref<!tpu.dma_semaphore, #tpu.memory_space<semaphore_mem>>) src(%arg4 : memref<625x128xf32, #tpu.memory_space<hbm>>) dst(%dma_wait3A_152 : memref<625x128xf32, #tpu.memory_space<vmem_shared>>)
      tpu.yield
    }) : () -> ()
    %run_scoped3A = arith.constant 0 : i32
    "tpu.region"() ({
      %run_scoped3A_148 = tpu.sem_alloc : memref<!tpu.dma_semaphore, #tpu.memory_space<semaphore_mem>>
      %dma_start3A_149 = arith.constant 0 : i32
      %dma_start3A_150 = arith.constant 0 : i32
      %dma_start3A_151 = arith.constant 0 : i32
      %dma_start3A_152 = tpu.memref_slice %arg3[%run_scoped3A, %dma_start3A_149, %dma_start3A_150, %dma_start3A_151] : memref<2x32x125x80xi32, #tpu.memory_space<hbm>> -> memref<1x32x125x80xi32, #tpu.memory_space<hbm>>
      %dma_start3A_153 = tpu.memref_squeeze %dma_start3A_152 : memref<1x32x125x80xi32, #tpu.memory_space<hbm>> -> memref<32x125x80xi32, #tpu.memory_space<hbm>>
      %dma_start3A_154 = arith.constant 0 : i32
      %dma_start3A_155 = arith.constant 0 : i32
      %dma_start3A_156 = tpu.memref_slice %dma_start3A_153[%add3A, %dma_start3A_154, %dma_start3A_155] : memref<32x125x80xi32, #tpu.memory_space<hbm>> -> memref<1x125x80xi32, #tpu.memory_space<hbm>>
      %dma_start3A_157 = tpu.memref_squeeze %dma_start3A_156 : memref<1x125x80xi32, #tpu.memory_space<hbm>> -> memref<125x80xi32, #tpu.memory_space<hbm>>
      %dma_start3A_158 = arith.constant 0 : i32
      %dma_start3A_159 = arith.constant 0 : i32
      %dma_start3A_160 = arith.constant 0 : i32
      %dma_start3A_161 = tpu.memref_slice %arg3[%run_scoped3A, %dma_start3A_158, %dma_start3A_159, %dma_start3A_160] : memref<2x32x125x80xi32, #tpu.memory_space<hbm>> -> memref<1x32x125x80xi32, #tpu.memory_space<hbm>>
      %dma_start3A_162 = tpu.memref_squeeze %dma_start3A_161 : memref<1x32x125x80xi32, #tpu.memory_space<hbm>> -> memref<32x125x80xi32, #tpu.memory_space<hbm>>
      %dma_start3A_163 = arith.constant 0 : i32
      %dma_start3A_164 = arith.constant 0 : i32
      %dma_start3A_165 = tpu.memref_slice %dma_start3A_162[%add3A, %dma_start3A_163, %dma_start3A_164] : memref<32x125x80xi32, #tpu.memory_space<hbm>> -> memref<1x125x80xi32, #tpu.memory_space<hbm>>
      %dma_start3A_166 = tpu.memref_squeeze %dma_start3A_165 : memref<1x125x80xi32, #tpu.memory_space<hbm>> -> memref<125x80xi32, #tpu.memory_space<hbm>>
      tpu.enqueue_dma source(%dma_start3A_166 : memref<125x80xi32, #tpu.memory_space<hbm>>) target(%arg6 : memref<125x80xi32, #tpu.memory_space<vmem>>) target_semaphore(%run_scoped3A_148 : memref<!tpu.dma_semaphore, #tpu.memory_space<semaphore_mem>>)
      %dma_wait3A_167 = arith.constant 0 : i32
      %dma_wait3A_168 = arith.constant 0 : i32
      %dma_wait3A_169 = arith.constant 0 : i32
      %dma_wait3A_170 = tpu.memref_slice %arg3[%run_scoped3A, %dma_wait3A_167, %dma_wait3A_168, %dma_wait3A_169] : memref<2x32x125x80xi32, #tpu.memory_space<hbm>> -> memref<1x32x125x80xi32, #tpu.memory_space<hbm>>
      %dma_wait3A_171 = tpu.memref_squeeze %dma_wait3A_170 : memref<1x32x125x80xi32, #tpu.memory_space<hbm>> -> memref<32x125x80xi32, #tpu.memory_space<hbm>>
      %dma_wait3A_172 = arith.constant 0 : i32
      %dma_wait3A_173 = arith.constant 0 : i32
      %dma_wait3A_174 = tpu.memref_slice %dma_wait3A_171[%add3A, %dma_wait3A_172, %dma_wait3A_173] : memref<32x125x80xi32, #tpu.memory_space<hbm>> -> memref<1x125x80xi32, #tpu.memory_space<hbm>>
      %dma_wait3A_175 = tpu.memref_squeeze %dma_wait3A_174 : memref<1x125x80xi32, #tpu.memory_space<hbm>> -> memref<125x80xi32, #tpu.memory_space<hbm>>
      %dma_wait3A_176 = arith.constant 0 : i32
      %dma_wait3A_177 = arith.constant 0 : i32
      %dma_wait3A_178 = arith.constant 0 : i32
      %dma_wait3A_179 = tpu.memref_slice %arg3[%run_scoped3A, %dma_wait3A_176, %dma_wait3A_177, %dma_wait3A_178] : memref<2x32x125x80xi32, #tpu.memory_space<hbm>> -> memref<1x32x125x80xi32, #tpu.memory_space<hbm>>
      %dma_wait3A_180 = tpu.memref_squeeze %dma_wait3A_179 : memref<1x32x125x80xi32, #tpu.memory_space<hbm>> -> memref<32x125x80xi32, #tpu.memory_space<hbm>>
      %dma_wait3A_181 = arith.constant 0 : i32
      %dma_wait3A_182 = arith.constant 0 : i32
      %dma_wait3A_183 = tpu.memref_slice %dma_wait3A_180[%add3A, %dma_wait3A_181, %dma_wait3A_182] : memref<32x125x80xi32, #tpu.memory_space<hbm>> -> memref<1x125x80xi32, #tpu.memory_space<hbm>>
      %dma_wait3A_184 = tpu.memref_squeeze %dma_wait3A_183 : memref<1x125x80xi32, #tpu.memory_space<hbm>> -> memref<125x80xi32, #tpu.memory_space<hbm>>
      tpu.wait_dma2 semaphore(%run_scoped3A_148 : memref<!tpu.dma_semaphore, #tpu.memory_space<semaphore_mem>>) src(%dma_wait3A_184 : memref<125x80xi32, #tpu.memory_space<hbm>>) dst(%arg6 : memref<125x80xi32, #tpu.memory_space<vmem>>)
      tpu.yield
    }) : () -> ()
    %run_scoped3A_3 = arith.constant 1 : i32
    "tpu.region"() ({
      %run_scoped3A_148 = tpu.sem_alloc : memref<!tpu.dma_semaphore, #tpu.memory_space<semaphore_mem>>
      %dma_start3A_149 = arith.constant 0 : i32
      %dma_start3A_150 = arith.constant 0 : i32
      %dma_start3A_151 = arith.constant 0 : i32
      %dma_start3A_152 = tpu.memref_slice %arg3[%run_scoped3A_3, %dma_start3A_149, %dma_start3A_150, %dma_start3A_151] : memref<2x32x125x80xi32, #tpu.memory_space<hbm>> -> memref<1x32x125x80xi32, #tpu.memory_space<hbm>>
      %dma_start3A_153 = tpu.memref_squeeze %dma_start3A_152 : memref<1x32x125x80xi32, #tpu.memory_space<hbm>> -> memref<32x125x80xi32, #tpu.memory_space<hbm>>
      %dma_start3A_154 = arith.constant 0 : i32
      %dma_start3A_155 = arith.constant 0 : i32
      %dma_start3A_156 = tpu.memref_slice %dma_start3A_153[%add3A, %dma_start3A_154, %dma_start3A_155] : memref<32x125x80xi32, #tpu.memory_space<hbm>> -> memref<1x125x80xi32, #tpu.memory_space<hbm>>
      %dma_start3A_157 = tpu.memref_squeeze %dma_start3A_156 : memref<1x125x80xi32, #tpu.memory_space<hbm>> -> memref<125x80xi32, #tpu.memory_space<hbm>>
      %dma_start3A_158 = arith.constant 0 : i32
      %dma_start3A_159 = arith.constant 0 : i32
      %dma_start3A_160 = arith.constant 0 : i32
      %dma_start3A_161 = tpu.memref_slice %arg3[%run_scoped3A_3, %dma_start3A_158, %dma_start3A_159, %dma_start3A_160] : memref<2x32x125x80xi32, #tpu.memory_space<hbm>> -> memref<1x32x125x80xi32, #tpu.memory_space<hbm>>
      %dma_start3A_162 = tpu.memref_squeeze %dma_start3A_161 : memref<1x32x125x80xi32, #tpu.memory_space<hbm>> -> memref<32x125x80xi32, #tpu.memory_space<hbm>>
      %dma_start3A_163 = arith.constant 0 : i32
      %dma_start3A_164 = arith.constant 0 : i32
      %dma_start3A_165 = tpu.memref_slice %dma_start3A_162[%add3A, %dma_start3A_163, %dma_start3A_164] : memref<32x125x80xi32, #tpu.memory_space<hbm>> -> memref<1x125x80xi32, #tpu.memory_space<hbm>>
      %dma_start3A_166 = tpu.memref_squeeze %dma_start3A_165 : memref<1x125x80xi32, #tpu.memory_space<hbm>> -> memref<125x80xi32, #tpu.memory_space<hbm>>
      tpu.enqueue_dma source(%dma_start3A_166 : memref<125x80xi32, #tpu.memory_space<hbm>>) target(%arg7 : memref<125x80xi32, #tpu.memory_space<vmem>>) target_semaphore(%run_scoped3A_148 : memref<!tpu.dma_semaphore, #tpu.memory_space<semaphore_mem>>)
      %dma_wait3A_167 = arith.constant 0 : i32
      %dma_wait3A_168 = arith.constant 0 : i32
      %dma_wait3A_169 = arith.constant 0 : i32
      %dma_wait3A_170 = tpu.memref_slice %arg3[%run_scoped3A_3, %dma_wait3A_167, %dma_wait3A_168, %dma_wait3A_169] : memref<2x32x125x80xi32, #tpu.memory_space<hbm>> -> memref<1x32x125x80xi32, #tpu.memory_space<hbm>>
      %dma_wait3A_171 = tpu.memref_squeeze %dma_wait3A_170 : memref<1x32x125x80xi32, #tpu.memory_space<hbm>> -> memref<32x125x80xi32, #tpu.memory_space<hbm>>
      %dma_wait3A_172 = arith.constant 0 : i32
      %dma_wait3A_173 = arith.constant 0 : i32
      %dma_wait3A_174 = tpu.memref_slice %dma_wait3A_171[%add3A, %dma_wait3A_172, %dma_wait3A_173] : memref<32x125x80xi32, #tpu.memory_space<hbm>> -> memref<1x125x80xi32, #tpu.memory_space<hbm>>
      %dma_wait3A_175 = tpu.memref_squeeze %dma_wait3A_174 : memref<1x125x80xi32, #tpu.memory_space<hbm>> -> memref<125x80xi32, #tpu.memory_space<hbm>>
      %dma_wait3A_176 = arith.constant 0 : i32
      %dma_wait3A_177 = arith.constant 0 : i32
      %dma_wait3A_178 = arith.constant 0 : i32
      %dma_wait3A_179 = tpu.memref_slice %arg3[%run_scoped3A_3, %dma_wait3A_176, %dma_wait3A_177, %dma_wait3A_178] : memref<2x32x125x80xi32, #tpu.memory_space<hbm>> -> memref<1x32x125x80xi32, #tpu.memory_space<hbm>>
      %dma_wait3A_180 = tpu.memref_squeeze %dma_wait3A_179 : memref<1x32x125x80xi32, #tpu.memory_space<hbm>> -> memref<32x125x80xi32, #tpu.memory_space<hbm>>
      %dma_wait3A_181 = arith.constant 0 : i32
      %dma_wait3A_182 = arith.constant 0 : i32
      %dma_wait3A_183 = tpu.memref_slice %dma_wait3A_180[%add3A, %dma_wait3A_181, %dma_wait3A_182] : memref<32x125x80xi32, #tpu.memory_space<hbm>> -> memref<1x125x80xi32, #tpu.memory_space<hbm>>
      %dma_wait3A_184 = tpu.memref_squeeze %dma_wait3A_183 : memref<1x125x80xi32, #tpu.memory_space<hbm>> -> memref<125x80xi32, #tpu.memory_space<hbm>>
      tpu.wait_dma2 semaphore(%run_scoped3A_148 : memref<!tpu.dma_semaphore, #tpu.memory_space<semaphore_mem>>) src(%dma_wait3A_184 : memref<125x80xi32, #tpu.memory_space<hbm>>) dst(%arg7 : memref<125x80xi32, #tpu.memory_space<vmem>>)
      tpu.yield
    }) : () -> ()
    %dma_start3A = arith.constant 0 : i32
    %dma_start3A_4 = arith.constant 0 : i32
    %dma_start3A_5 = tpu.memref_slice %arg6[%dma_start3A, %dma_start3A_4] : memref<125x80xi32, #tpu.memory_space<vmem>> -> memref<1x80xi32, #tpu.memory_space<vmem>>
    %dma_start3A_6 = tpu.memref_squeeze %dma_start3A_5 : memref<1x80xi32, #tpu.memory_space<vmem>> -> memref<80xi32, #tpu.memory_space<vmem>>
    %dma_start3A_7 = arith.constant 0 : i32
    %dma_start3A_8 = arith.constant 0 : i32
    %dma_start3A_9 = tpu.memref_slice %arg2[%dma_start3A_7, %dma_start3A_8] : memref<10000x128xf32, #tpu.memory_space<hbm>> -> memref<10000x128xf32, #tpu.memory_space<hbm>>
    tpu.enqueue_indirect_dma source(%dma_start3A_9 : memref<10000x128xf32, #tpu.memory_space<hbm>>) target(%arg8 : memref<80x128xf32, #tpu.memory_space<vmem>>) offsets(%dma_start3A_6 : memref<80xi32, #tpu.memory_space<vmem>>) semaphore(%arg12 : memref<!tpu.dma_semaphore, #tpu.memory_space<semaphore_mem>>)
    %dma_start3A_10 = arith.constant 1 : i32
    %dma_start3A_11 = arith.constant 0 : i32
    %dma_start3A_12 = tpu.memref_slice %arg6[%dma_start3A_10, %dma_start3A_11] : memref<125x80xi32, #tpu.memory_space<vmem>> -> memref<1x80xi32, #tpu.memory_space<vmem>>
    %dma_start3A_13 = tpu.memref_squeeze %dma_start3A_12 : memref<1x80xi32, #tpu.memory_space<vmem>> -> memref<80xi32, #tpu.memory_space<vmem>>
    %dma_start3A_14 = arith.constant 0 : i32
    %dma_start3A_15 = arith.constant 0 : i32
    %dma_start3A_16 = tpu.memref_slice %arg2[%dma_start3A_14, %dma_start3A_15] : memref<10000x128xf32, #tpu.memory_space<hbm>> -> memref<10000x128xf32, #tpu.memory_space<hbm>>
    tpu.enqueue_indirect_dma source(%dma_start3A_16 : memref<10000x128xf32, #tpu.memory_space<hbm>>) target(%arg9 : memref<80x128xf32, #tpu.memory_space<vmem>>) offsets(%dma_start3A_13 : memref<80xi32, #tpu.memory_space<vmem>>) semaphore(%arg13 : memref<!tpu.dma_semaphore, #tpu.memory_space<semaphore_mem>>)
    %barrier3A = arith.constant 0 : index
    tpu.barrier barrier_id(%barrier3A)
    %dma_wait3A = arith.constant 0 : i32
    %dma_wait3A_17 = arith.constant 0 : i32
    %dma_wait3A_18 = tpu.memref_slice %arg6[%dma_wait3A, %dma_wait3A_17] : memref<125x80xi32, #tpu.memory_space<vmem>> -> memref<1x80xi32, #tpu.memory_space<vmem>>
    %dma_wait3A_19 = tpu.memref_squeeze %dma_wait3A_18 : memref<1x80xi32, #tpu.memory_space<vmem>> -> memref<80xi32, #tpu.memory_space<vmem>>
    %dma_wait3A_20 = arith.constant 0 : i32
    %dma_wait3A_21 = arith.constant 0 : i32
    %dma_wait3A_22 = tpu.memref_slice %arg2[%dma_wait3A_20, %dma_wait3A_21] : memref<10000x128xf32, #tpu.memory_space<hbm>> -> memref<10000x128xf32, #tpu.memory_space<hbm>>
    tpu.wait_indirect_dma semaphore(%arg12 : memref<!tpu.dma_semaphore, #tpu.memory_space<semaphore_mem>>) src(%dma_wait3A_22 : memref<10000x128xf32, #tpu.memory_space<hbm>>) dst(%arg8 : memref<80x128xf32, #tpu.memory_space<vmem>>)
    %dma_start3A_23 = arith.constant 0 : i32
    %dma_start3A_24 = arith.constant 0 : i32
    %dma_start3A_25 = tpu.memref_slice %arg7[%dma_start3A_23, %dma_start3A_24] : memref<125x80xi32, #tpu.memory_space<vmem>> -> memref<1x80xi32, #tpu.memory_space<vmem>>
    %dma_start3A_26 = tpu.memref_squeeze %dma_start3A_25 : memref<1x80xi32, #tpu.memory_space<vmem>> -> memref<80xi32, #tpu.memory_space<vmem>>
    %dma_start3A_27 = arith.constant 0 : i32
    %dma_start3A_28 = arith.constant 0 : i32
    %dma_start3A_29 = tpu.memref_slice %arg11[%dma_start3A_27, %dma_start3A_28] : memref<10000x128xf32, #tpu.memory_space<vmem_shared>> -> memref<10000x128xf32, #tpu.memory_space<vmem_shared>>
    tpu.enqueue_indirect_dma source(%arg8 : memref<80x128xf32, #tpu.memory_space<vmem>>) target(%dma_start3A_29 : memref<10000x128xf32, #tpu.memory_space<vmem_shared>>) offsets(%dma_start3A_26 : memref<80xi32, #tpu.memory_space<vmem>>) semaphore(%arg15 : memref<!tpu.dma_semaphore, #tpu.memory_space<semaphore_mem>>) {add = true}
    %dma_start3A_30 = arith.constant 2 : i32
    %dma_start3A_31 = arith.constant 0 : i32
    %dma_start3A_32 = tpu.memref_slice %arg6[%dma_start3A_30, %dma_start3A_31] : memref<125x80xi32, #tpu.memory_space<vmem>> -> memref<1x80xi32, #tpu.memory_space<vmem>>
    %dma_start3A_33 = tpu.memref_squeeze %dma_start3A_32 : memref<1x80xi32, #tpu.memory_space<vmem>> -> memref<80xi32, #tpu.memory_space<vmem>>
    %dma_start3A_34 = arith.constant 0 : i32
    %dma_start3A_35 = arith.constant 0 : i32
    %dma_start3A_36 = tpu.memref_slice %arg2[%dma_start3A_34, %dma_start3A_35] : memref<10000x128xf32, #tpu.memory_space<hbm>> -> memref<10000x128xf32, #tpu.memory_space<hbm>>
    tpu.enqueue_indirect_dma source(%dma_start3A_36 : memref<10000x128xf32, #tpu.memory_space<hbm>>) target(%arg10 : memref<80x128xf32, #tpu.memory_space<vmem>>) offsets(%dma_start3A_33 : memref<80xi32, #tpu.memory_space<vmem>>) semaphore(%arg14 : memref<!tpu.dma_semaphore, #tpu.memory_space<semaphore_mem>>)
    %dma_wait3A_37 = arith.constant 1 : i32
    %dma_wait3A_38 = arith.constant 0 : i32
    %dma_wait3A_39 = tpu.memref_slice %arg6[%dma_wait3A_37, %dma_wait3A_38] : memref<125x80xi32, #tpu.memory_space<vmem>> -> memref<1x80xi32, #tpu.memory_space<vmem>>
    %dma_wait3A_40 = tpu.memref_squeeze %dma_wait3A_39 : memref<1x80xi32, #tpu.memory_space<vmem>> -> memref<80xi32, #tpu.memory_space<vmem>>
    %dma_wait3A_41 = arith.constant 0 : i32
    %dma_wait3A_42 = arith.constant 0 : i32
    %dma_wait3A_43 = tpu.memref_slice %arg2[%dma_wait3A_41, %dma_wait3A_42] : memref<10000x128xf32, #tpu.memory_space<hbm>> -> memref<10000x128xf32, #tpu.memory_space<hbm>>
    tpu.wait_indirect_dma semaphore(%arg13 : memref<!tpu.dma_semaphore, #tpu.memory_space<semaphore_mem>>) src(%dma_wait3A_43 : memref<10000x128xf32, #tpu.memory_space<hbm>>) dst(%arg9 : memref<80x128xf32, #tpu.memory_space<vmem>>)
    %dma_start3A_44 = arith.constant 1 : i32
    %dma_start3A_45 = arith.constant 0 : i32
    %dma_start3A_46 = tpu.memref_slice %arg7[%dma_start3A_44, %dma_start3A_45] : memref<125x80xi32, #tpu.memory_space<vmem>> -> memref<1x80xi32, #tpu.memory_space<vmem>>
    %dma_start3A_47 = tpu.memref_squeeze %dma_start3A_46 : memref<1x80xi32, #tpu.memory_space<vmem>> -> memref<80xi32, #tpu.memory_space<vmem>>
    %dma_start3A_48 = arith.constant 0 : i32
    %dma_start3A_49 = arith.constant 0 : i32
    %dma_start3A_50 = tpu.memref_slice %arg11[%dma_start3A_48, %dma_start3A_49] : memref<10000x128xf32, #tpu.memory_space<vmem_shared>> -> memref<10000x128xf32, #tpu.memory_space<vmem_shared>>
    tpu.enqueue_indirect_dma source(%arg9 : memref<80x128xf32, #tpu.memory_space<vmem>>) target(%dma_start3A_50 : memref<10000x128xf32, #tpu.memory_space<vmem_shared>>) offsets(%dma_start3A_47 : memref<80xi32, #tpu.memory_space<vmem>>) semaphore(%arg16 : memref<!tpu.dma_semaphore, #tpu.memory_space<semaphore_mem>>) {add = true}
    %dma_wait3A_51 = arith.constant 0 : i32
    %dma_wait3A_52 = arith.constant 0 : i32
    %dma_wait3A_53 = tpu.memref_slice %arg7[%dma_wait3A_51, %dma_wait3A_52] : memref<125x80xi32, #tpu.memory_space<vmem>> -> memref<1x80xi32, #tpu.memory_space<vmem>>
    %dma_wait3A_54 = tpu.memref_squeeze %dma_wait3A_53 : memref<1x80xi32, #tpu.memory_space<vmem>> -> memref<80xi32, #tpu.memory_space<vmem>>
    %dma_wait3A_55 = arith.constant 0 : i32
    %dma_wait3A_56 = arith.constant 0 : i32
    %dma_wait3A_57 = tpu.memref_slice %arg11[%dma_wait3A_55, %dma_wait3A_56] : memref<10000x128xf32, #tpu.memory_space<vmem_shared>> -> memref<10000x128xf32, #tpu.memory_space<vmem_shared>>
    tpu.wait_indirect_dma semaphore(%arg15 : memref<!tpu.dma_semaphore, #tpu.memory_space<semaphore_mem>>) src(%arg8 : memref<80x128xf32, #tpu.memory_space<vmem>>) dst(%dma_wait3A_57 : memref<10000x128xf32, #tpu.memory_space<vmem_shared>>)
    %dma_start3A_58 = arith.constant 3 : i32
    %dma_start3A_59 = arith.constant 0 : i32
    %dma_start3A_60 = tpu.memref_slice %arg6[%dma_start3A_58, %dma_start3A_59] : memref<125x80xi32, #tpu.memory_space<vmem>> -> memref<1x80xi32, #tpu.memory_space<vmem>>
    %dma_start3A_61 = tpu.memref_squeeze %dma_start3A_60 : memref<1x80xi32, #tpu.memory_space<vmem>> -> memref<80xi32, #tpu.memory_space<vmem>>
    %dma_start3A_62 = arith.constant 0 : i32
    %dma_start3A_63 = arith.constant 0 : i32
    %dma_start3A_64 = tpu.memref_slice %arg2[%dma_start3A_62, %dma_start3A_63] : memref<10000x128xf32, #tpu.memory_space<hbm>> -> memref<10000x128xf32, #tpu.memory_space<hbm>>
    tpu.enqueue_indirect_dma source(%dma_start3A_64 : memref<10000x128xf32, #tpu.memory_space<hbm>>) target(%arg8 : memref<80x128xf32, #tpu.memory_space<vmem>>) offsets(%dma_start3A_61 : memref<80xi32, #tpu.memory_space<vmem>>) semaphore(%arg12 : memref<!tpu.dma_semaphore, #tpu.memory_space<semaphore_mem>>)
    %scan3A = arith.constant 0 : i32
    %scan3A_65 = arith.constant 0 : i32
    %scan3A_66 = arith.constant 40 : i32
    %scan3A_67 = arith.addi %scan3A_65, %scan3A_66 : i32
    %scan3A_68 = arith.constant 1 : i32
    scf.for %scan3A_148 = %scan3A_65 to %scan3A_67 step %scan3A_68  : i32 {
      %mul3A_149 = arith.constant 3 : i32
      %mul3A_150 = arith.muli %mul3A_149, %scan3A_148 : i32
      %add3A_151 = arith.constant 2 : i32
      %add3A_152 = arith.addi %add3A_151, %mul3A_150 : i32
      %add3A_153 = arith.constant 0 : i32
      %add3A_154 = arith.addi %add3A_152, %add3A_153 : i32
      %dma_wait3A_155 = arith.constant 0 : i32
      %dma_wait3A_156 = tpu.memref_slice %arg6[%add3A_154, %dma_wait3A_155] : memref<125x80xi32, #tpu.memory_space<vmem>> -> memref<1x80xi32, #tpu.memory_space<vmem>>
      %dma_wait3A_157 = tpu.memref_squeeze %dma_wait3A_156 : memref<1x80xi32, #tpu.memory_space<vmem>> -> memref<80xi32, #tpu.memory_space<vmem>>
      %dma_wait3A_158 = arith.constant 0 : i32
      %dma_wait3A_159 = arith.constant 0 : i32
      %dma_wait3A_160 = tpu.memref_slice %arg2[%dma_wait3A_158, %dma_wait3A_159] : memref<10000x128xf32, #tpu.memory_space<hbm>> -> memref<10000x128xf32, #tpu.memory_space<hbm>>
      tpu.wait_indirect_dma semaphore(%arg14 : memref<!tpu.dma_semaphore, #tpu.memory_space<semaphore_mem>>) src(%dma_wait3A_160 : memref<10000x128xf32, #tpu.memory_space<hbm>>) dst(%arg10 : memref<80x128xf32, #tpu.memory_space<vmem>>)
      %dma_start3A_161 = arith.constant 0 : i32
      %dma_start3A_162 = tpu.memref_slice %arg7[%add3A_154, %dma_start3A_161] : memref<125x80xi32, #tpu.memory_space<vmem>> -> memref<1x80xi32, #tpu.memory_space<vmem>>
      %dma_start3A_163 = tpu.memref_squeeze %dma_start3A_162 : memref<1x80xi32, #tpu.memory_space<vmem>> -> memref<80xi32, #tpu.memory_space<vmem>>
      %dma_start3A_164 = arith.constant 0 : i32
      %dma_start3A_165 = arith.constant 0 : i32
      %dma_start3A_166 = tpu.memref_slice %arg11[%dma_start3A_164, %dma_start3A_165] : memref<10000x128xf32, #tpu.memory_space<vmem_shared>> -> memref<10000x128xf32, #tpu.memory_space<vmem_shared>>
      tpu.enqueue_indirect_dma source(%arg10 : memref<80x128xf32, #tpu.memory_space<vmem>>) target(%dma_start3A_166 : memref<10000x128xf32, #tpu.memory_space<vmem_shared>>) offsets(%dma_start3A_163 : memref<80xi32, #tpu.memory_space<vmem>>) semaphore(%arg17 : memref<!tpu.dma_semaphore, #tpu.memory_space<semaphore_mem>>) {add = true}
      %sub3A = arith.constant 1 : i32
      %sub3A_167 = arith.subi %add3A_154, %sub3A : i32
      %dma_wait3A_168 = arith.constant 0 : i32
      %dma_wait3A_169 = tpu.memref_slice %arg7[%sub3A_167, %dma_wait3A_168] : memref<125x80xi32, #tpu.memory_space<vmem>> -> memref<1x80xi32, #tpu.memory_space<vmem>>
      %dma_wait3A_170 = tpu.memref_squeeze %dma_wait3A_169 : memref<1x80xi32, #tpu.memory_space<vmem>> -> memref<80xi32, #tpu.memory_space<vmem>>
      %dma_wait3A_171 = arith.constant 0 : i32
      %dma_wait3A_172 = arith.constant 0 : i32
      %dma_wait3A_173 = tpu.memref_slice %arg11[%dma_wait3A_171, %dma_wait3A_172] : memref<10000x128xf32, #tpu.memory_space<vmem_shared>> -> memref<10000x128xf32, #tpu.memory_space<vmem_shared>>
      tpu.wait_indirect_dma semaphore(%arg16 : memref<!tpu.dma_semaphore, #tpu.memory_space<semaphore_mem>>) src(%arg9 : memref<80x128xf32, #tpu.memory_space<vmem>>) dst(%dma_wait3A_173 : memref<10000x128xf32, #tpu.memory_space<vmem_shared>>)
      %add3A_174 = arith.constant 2 : i32
      %add3A_175 = arith.addi %add3A_154, %add3A_174 : i32
      %dma_start3A_176 = arith.constant 0 : i32
      %dma_start3A_177 = tpu.memref_slice %arg6[%add3A_175, %dma_start3A_176] : memref<125x80xi32, #tpu.memory_space<vmem>> -> memref<1x80xi32, #tpu.memory_space<vmem>>
      %dma_start3A_178 = tpu.memref_squeeze %dma_start3A_177 : memref<1x80xi32, #tpu.memory_space<vmem>> -> memref<80xi32, #tpu.memory_space<vmem>>
      %dma_start3A_179 = arith.constant 0 : i32
      %dma_start3A_180 = arith.constant 0 : i32
      %dma_start3A_181 = tpu.memref_slice %arg2[%dma_start3A_179, %dma_start3A_180] : memref<10000x128xf32, #tpu.memory_space<hbm>> -> memref<10000x128xf32, #tpu.memory_space<hbm>>
      tpu.enqueue_indirect_dma source(%dma_start3A_181 : memref<10000x128xf32, #tpu.memory_space<hbm>>) target(%arg9 : memref<80x128xf32, #tpu.memory_space<vmem>>) offsets(%dma_start3A_178 : memref<80xi32, #tpu.memory_space<vmem>>) semaphore(%arg13 : memref<!tpu.dma_semaphore, #tpu.memory_space<semaphore_mem>>)
      %add3A_182 = arith.constant 1 : i32
      %add3A_183 = arith.addi %add3A_152, %add3A_182 : i32
      %dma_wait3A_184 = arith.constant 0 : i32
      %dma_wait3A_185 = tpu.memref_slice %arg6[%add3A_183, %dma_wait3A_184] : memref<125x80xi32, #tpu.memory_space<vmem>> -> memref<1x80xi32, #tpu.memory_space<vmem>>
      %dma_wait3A_186 = tpu.memref_squeeze %dma_wait3A_185 : memref<1x80xi32, #tpu.memory_space<vmem>> -> memref<80xi32, #tpu.memory_space<vmem>>
      %dma_wait3A_187 = arith.constant 0 : i32
      %dma_wait3A_188 = arith.constant 0 : i32
      %dma_wait3A_189 = tpu.memref_slice %arg2[%dma_wait3A_187, %dma_wait3A_188] : memref<10000x128xf32, #tpu.memory_space<hbm>> -> memref<10000x128xf32, #tpu.memory_space<hbm>>
      tpu.wait_indirect_dma semaphore(%arg12 : memref<!tpu.dma_semaphore, #tpu.memory_space<semaphore_mem>>) src(%dma_wait3A_189 : memref<10000x128xf32, #tpu.memory_space<hbm>>) dst(%arg8 : memref<80x128xf32, #tpu.memory_space<vmem>>)
      %dma_start3A_190 = arith.constant 0 : i32
      %dma_start3A_191 = tpu.memref_slice %arg7[%add3A_183, %dma_start3A_190] : memref<125x80xi32, #tpu.memory_space<vmem>> -> memref<1x80xi32, #tpu.memory_space<vmem>>
      %dma_start3A_192 = tpu.memref_squeeze %dma_start3A_191 : memref<1x80xi32, #tpu.memory_space<vmem>> -> memref<80xi32, #tpu.memory_space<vmem>>
      %dma_start3A_193 = arith.constant 0 : i32
      %dma_start3A_194 = arith.constant 0 : i32
      %dma_start3A_195 = tpu.memref_slice %arg11[%dma_start3A_193, %dma_start3A_194] : memref<10000x128xf32, #tpu.memory_space<vmem_shared>> -> memref<10000x128xf32, #tpu.memory_space<vmem_shared>>
      tpu.enqueue_indirect_dma source(%arg8 : memref<80x128xf32, #tpu.memory_space<vmem>>) target(%dma_start3A_195 : memref<10000x128xf32, #tpu.memory_space<vmem_shared>>) offsets(%dma_start3A_192 : memref<80xi32, #tpu.memory_space<vmem>>) semaphore(%arg15 : memref<!tpu.dma_semaphore, #tpu.memory_space<semaphore_mem>>) {add = true}
      %sub3A_196 = arith.constant 1 : i32
      %sub3A_197 = arith.subi %add3A_183, %sub3A_196 : i32
      %dma_wait3A_198 = arith.constant 0 : i32
      %dma_wait3A_199 = tpu.memref_slice %arg7[%sub3A_197, %dma_wait3A_198] : memref<125x80xi32, #tpu.memory_space<vmem>> -> memref<1x80xi32, #tpu.memory_space<vmem>>
      %dma_wait3A_200 = tpu.memref_squeeze %dma_wait3A_199 : memref<1x80xi32, #tpu.memory_space<vmem>> -> memref<80xi32, #tpu.memory_space<vmem>>
      %dma_wait3A_201 = arith.constant 0 : i32
      %dma_wait3A_202 = arith.constant 0 : i32
      %dma_wait3A_203 = tpu.memref_slice %arg11[%dma_wait3A_201, %dma_wait3A_202] : memref<10000x128xf32, #tpu.memory_space<vmem_shared>> -> memref<10000x128xf32, #tpu.memory_space<vmem_shared>>
      tpu.wait_indirect_dma semaphore(%arg17 : memref<!tpu.dma_semaphore, #tpu.memory_space<semaphore_mem>>) src(%arg10 : memref<80x128xf32, #tpu.memory_space<vmem>>) dst(%dma_wait3A_203 : memref<10000x128xf32, #tpu.memory_space<vmem_shared>>)
      %add3A_204 = arith.constant 2 : i32
      %add3A_205 = arith.addi %add3A_183, %add3A_204 : i32
      %dma_start3A_206 = arith.constant 0 : i32
      %dma_start3A_207 = tpu.memref_slice %arg6[%add3A_205, %dma_start3A_206] : memref<125x80xi32, #tpu.memory_space<vmem>> -> memref<1x80xi32, #tpu.memory_space<vmem>>
      %dma_start3A_208 = tpu.memref_squeeze %dma_start3A_207 : memref<1x80xi32, #tpu.memory_space<vmem>> -> memref<80xi32, #tpu.memory_space<vmem>>
      %dma_start3A_209 = arith.constant 0 : i32
      %dma_start3A_210 = arith.constant 0 : i32
      %dma_start3A_211 = tpu.memref_slice %arg2[%dma_start3A_209, %dma_start3A_210] : memref<10000x128xf32, #tpu.memory_space<hbm>> -> memref<10000x128xf32, #tpu.memory_space<hbm>>
      tpu.enqueue_indirect_dma source(%dma_start3A_211 : memref<10000x128xf32, #tpu.memory_space<hbm>>) target(%arg10 : memref<80x128xf32, #tpu.memory_space<vmem>>) offsets(%dma_start3A_208 : memref<80xi32, #tpu.memory_space<vmem>>) semaphore(%arg14 : memref<!tpu.dma_semaphore, #tpu.memory_space<semaphore_mem>>)
      %add3A_212 = arith.constant 2 : i32
      %add3A_213 = arith.addi %add3A_152, %add3A_212 : i32
      %dma_wait3A_214 = arith.constant 0 : i32
      %dma_wait3A_215 = tpu.memref_slice %arg6[%add3A_213, %dma_wait3A_214] : memref<125x80xi32, #tpu.memory_space<vmem>> -> memref<1x80xi32, #tpu.memory_space<vmem>>
      %dma_wait3A_216 = tpu.memref_squeeze %dma_wait3A_215 : memref<1x80xi32, #tpu.memory_space<vmem>> -> memref<80xi32, #tpu.memory_space<vmem>>
      %dma_wait3A_217 = arith.constant 0 : i32
      %dma_wait3A_218 = arith.constant 0 : i32
      %dma_wait3A_219 = tpu.memref_slice %arg2[%dma_wait3A_217, %dma_wait3A_218] : memref<10000x128xf32, #tpu.memory_space<hbm>> -> memref<10000x128xf32, #tpu.memory_space<hbm>>
      tpu.wait_indirect_dma semaphore(%arg13 : memref<!tpu.dma_semaphore, #tpu.memory_space<semaphore_mem>>) src(%dma_wait3A_219 : memref<10000x128xf32, #tpu.memory_space<hbm>>) dst(%arg9 : memref<80x128xf32, #tpu.memory_space<vmem>>)
      %dma_start3A_220 = arith.constant 0 : i32
      %dma_start3A_221 = tpu.memref_slice %arg7[%add3A_213, %dma_start3A_220] : memref<125x80xi32, #tpu.memory_space<vmem>> -> memref<1x80xi32, #tpu.memory_space<vmem>>
      %dma_start3A_222 = tpu.memref_squeeze %dma_start3A_221 : memref<1x80xi32, #tpu.memory_space<vmem>> -> memref<80xi32, #tpu.memory_space<vmem>>
      %dma_start3A_223 = arith.constant 0 : i32
      %dma_start3A_224 = arith.constant 0 : i32
      %dma_start3A_225 = tpu.memref_slice %arg11[%dma_start3A_223, %dma_start3A_224] : memref<10000x128xf32, #tpu.memory_space<vmem_shared>> -> memref<10000x128xf32, #tpu.memory_space<vmem_shared>>
      tpu.enqueue_indirect_dma source(%arg9 : memref<80x128xf32, #tpu.memory_space<vmem>>) target(%dma_start3A_225 : memref<10000x128xf32, #tpu.memory_space<vmem_shared>>) offsets(%dma_start3A_222 : memref<80xi32, #tpu.memory_space<vmem>>) semaphore(%arg16 : memref<!tpu.dma_semaphore, #tpu.memory_space<semaphore_mem>>) {add = true}
      %sub3A_226 = arith.constant 1 : i32
      %sub3A_227 = arith.subi %add3A_213, %sub3A_226 : i32
      %dma_wait3A_228 = arith.constant 0 : i32
      %dma_wait3A_229 = tpu.memref_slice %arg7[%sub3A_227, %dma_wait3A_228] : memref<125x80xi32, #tpu.memory_space<vmem>> -> memref<1x80xi32, #tpu.memory_space<vmem>>
      %dma_wait3A_230 = tpu.memref_squeeze %dma_wait3A_229 : memref<1x80xi32, #tpu.memory_space<vmem>> -> memref<80xi32, #tpu.memory_space<vmem>>
      %dma_wait3A_231 = arith.constant 0 : i32
      %dma_wait3A_232 = arith.constant 0 : i32
      %dma_wait3A_233 = tpu.memref_slice %arg11[%dma_wait3A_231, %dma_wait3A_232] : memref<10000x128xf32, #tpu.memory_space<vmem_shared>> -> memref<10000x128xf32, #tpu.memory_space<vmem_shared>>
      tpu.wait_indirect_dma semaphore(%arg15 : memref<!tpu.dma_semaphore, #tpu.memory_space<semaphore_mem>>) src(%arg8 : memref<80x128xf32, #tpu.memory_space<vmem>>) dst(%dma_wait3A_233 : memref<10000x128xf32, #tpu.memory_space<vmem_shared>>)
      %add3A_234 = arith.constant 2 : i32
      %add3A_235 = arith.addi %add3A_213, %add3A_234 : i32
      %dma_start3A_236 = arith.constant 0 : i32
      %dma_start3A_237 = tpu.memref_slice %arg6[%add3A_235, %dma_start3A_236] : memref<125x80xi32, #tpu.memory_space<vmem>> -> memref<1x80xi32, #tpu.memory_space<vmem>>
      %dma_start3A_238 = tpu.memref_squeeze %dma_start3A_237 : memref<1x80xi32, #tpu.memory_space<vmem>> -> memref<80xi32, #tpu.memory_space<vmem>>
      %dma_start3A_239 = arith.constant 0 : i32
      %dma_start3A_240 = arith.constant 0 : i32
      %dma_start3A_241 = tpu.memref_slice %arg2[%dma_start3A_239, %dma_start3A_240] : memref<10000x128xf32, #tpu.memory_space<hbm>> -> memref<10000x128xf32, #tpu.memory_space<hbm>>
      tpu.enqueue_indirect_dma source(%dma_start3A_241 : memref<10000x128xf32, #tpu.memory_space<hbm>>) target(%arg8 : memref<80x128xf32, #tpu.memory_space<vmem>>) offsets(%dma_start3A_238 : memref<80xi32, #tpu.memory_space<vmem>>) semaphore(%arg12 : memref<!tpu.dma_semaphore, #tpu.memory_space<semaphore_mem>>)
    }
    %scan3A_69 = arith.constant 40 : i32
    %dma_wait3A_70 = arith.constant 122 : i32
    %dma_wait3A_71 = arith.constant 0 : i32
    %dma_wait3A_72 = tpu.memref_slice %arg6[%dma_wait3A_70, %dma_wait3A_71] : memref<125x80xi32, #tpu.memory_space<vmem>> -> memref<1x80xi32, #tpu.memory_space<vmem>>
    %dma_wait3A_73 = tpu.memref_squeeze %dma_wait3A_72 : memref<1x80xi32, #tpu.memory_space<vmem>> -> memref<80xi32, #tpu.memory_space<vmem>>
    %dma_wait3A_74 = arith.constant 0 : i32
    %dma_wait3A_75 = arith.constant 0 : i32
    %dma_wait3A_76 = tpu.memref_slice %arg2[%dma_wait3A_74, %dma_wait3A_75] : memref<10000x128xf32, #tpu.memory_space<hbm>> -> memref<10000x128xf32, #tpu.memory_space<hbm>>
    tpu.wait_indirect_dma semaphore(%arg14 : memref<!tpu.dma_semaphore, #tpu.memory_space<semaphore_mem>>) src(%dma_wait3A_76 : memref<10000x128xf32, #tpu.memory_space<hbm>>) dst(%arg10 : memref<80x128xf32, #tpu.memory_space<vmem>>)
    %dma_start3A_77 = arith.constant 122 : i32
    %dma_start3A_78 = arith.constant 0 : i32
    %dma_start3A_79 = tpu.memref_slice %arg7[%dma_start3A_77, %dma_start3A_78] : memref<125x80xi32, #tpu.memory_space<vmem>> -> memref<1x80xi32, #tpu.memory_space<vmem>>
    %dma_start3A_80 = tpu.memref_squeeze %dma_start3A_79 : memref<1x80xi32, #tpu.memory_space<vmem>> -> memref<80xi32, #tpu.memory_space<vmem>>
    %dma_start3A_81 = arith.constant 0 : i32
    %dma_start3A_82 = arith.constant 0 : i32
    %dma_start3A_83 = tpu.memref_slice %arg11[%dma_start3A_81, %dma_start3A_82] : memref<10000x128xf32, #tpu.memory_space<vmem_shared>> -> memref<10000x128xf32, #tpu.memory_space<vmem_shared>>
    tpu.enqueue_indirect_dma source(%arg10 : memref<80x128xf32, #tpu.memory_space<vmem>>) target(%dma_start3A_83 : memref<10000x128xf32, #tpu.memory_space<vmem_shared>>) offsets(%dma_start3A_80 : memref<80xi32, #tpu.memory_space<vmem>>) semaphore(%arg17 : memref<!tpu.dma_semaphore, #tpu.memory_space<semaphore_mem>>) {add = true}
    %dma_wait3A_84 = arith.constant 121 : i32
    %dma_wait3A_85 = arith.constant 0 : i32
    %dma_wait3A_86 = tpu.memref_slice %arg7[%dma_wait3A_84, %dma_wait3A_85] : memref<125x80xi32, #tpu.memory_space<vmem>> -> memref<1x80xi32, #tpu.memory_space<vmem>>
    %dma_wait3A_87 = tpu.memref_squeeze %dma_wait3A_86 : memref<1x80xi32, #tpu.memory_space<vmem>> -> memref<80xi32, #tpu.memory_space<vmem>>
    %dma_wait3A_88 = arith.constant 0 : i32
    %dma_wait3A_89 = arith.constant 0 : i32
    %dma_wait3A_90 = tpu.memref_slice %arg11[%dma_wait3A_88, %dma_wait3A_89] : memref<10000x128xf32, #tpu.memory_space<vmem_shared>> -> memref<10000x128xf32, #tpu.memory_space<vmem_shared>>
    tpu.wait_indirect_dma semaphore(%arg16 : memref<!tpu.dma_semaphore, #tpu.memory_space<semaphore_mem>>) src(%arg9 : memref<80x128xf32, #tpu.memory_space<vmem>>) dst(%dma_wait3A_90 : memref<10000x128xf32, #tpu.memory_space<vmem_shared>>)
    %dma_start3A_91 = arith.constant 124 : i32
    %dma_start3A_92 = arith.constant 0 : i32
    %dma_start3A_93 = tpu.memref_slice %arg6[%dma_start3A_91, %dma_start3A_92] : memref<125x80xi32, #tpu.memory_space<vmem>> -> memref<1x80xi32, #tpu.memory_space<vmem>>
    %dma_start3A_94 = tpu.memref_squeeze %dma_start3A_93 : memref<1x80xi32, #tpu.memory_space<vmem>> -> memref<80xi32, #tpu.memory_space<vmem>>
    %dma_start3A_95 = arith.constant 0 : i32
    %dma_start3A_96 = arith.constant 0 : i32
    %dma_start3A_97 = tpu.memref_slice %arg2[%dma_start3A_95, %dma_start3A_96] : memref<10000x128xf32, #tpu.memory_space<hbm>> -> memref<10000x128xf32, #tpu.memory_space<hbm>>
    tpu.enqueue_indirect_dma source(%dma_start3A_97 : memref<10000x128xf32, #tpu.memory_space<hbm>>) target(%arg9 : memref<80x128xf32, #tpu.memory_space<vmem>>) offsets(%dma_start3A_94 : memref<80xi32, #tpu.memory_space<vmem>>) semaphore(%arg13 : memref<!tpu.dma_semaphore, #tpu.memory_space<semaphore_mem>>)
    %dma_wait3A_98 = arith.constant 123 : i32
    %dma_wait3A_99 = arith.constant 0 : i32
    %dma_wait3A_100 = tpu.memref_slice %arg6[%dma_wait3A_98, %dma_wait3A_99] : memref<125x80xi32, #tpu.memory_space<vmem>> -> memref<1x80xi32, #tpu.memory_space<vmem>>
    %dma_wait3A_101 = tpu.memref_squeeze %dma_wait3A_100 : memref<1x80xi32, #tpu.memory_space<vmem>> -> memref<80xi32, #tpu.memory_space<vmem>>
    %dma_wait3A_102 = arith.constant 0 : i32
    %dma_wait3A_103 = arith.constant 0 : i32
    %dma_wait3A_104 = tpu.memref_slice %arg2[%dma_wait3A_102, %dma_wait3A_103] : memref<10000x128xf32, #tpu.memory_space<hbm>> -> memref<10000x128xf32, #tpu.memory_space<hbm>>
    tpu.wait_indirect_dma semaphore(%arg12 : memref<!tpu.dma_semaphore, #tpu.memory_space<semaphore_mem>>) src(%dma_wait3A_104 : memref<10000x128xf32, #tpu.memory_space<hbm>>) dst(%arg8 : memref<80x128xf32, #tpu.memory_space<vmem>>)
    %dma_start3A_105 = arith.constant 123 : i32
    %dma_start3A_106 = arith.constant 0 : i32
    %dma_start3A_107 = tpu.memref_slice %arg7[%dma_start3A_105, %dma_start3A_106] : memref<125x80xi32, #tpu.memory_space<vmem>> -> memref<1x80xi32, #tpu.memory_space<vmem>>
    %dma_start3A_108 = tpu.memref_squeeze %dma_start3A_107 : memref<1x80xi32, #tpu.memory_space<vmem>> -> memref<80xi32, #tpu.memory_space<vmem>>
    %dma_start3A_109 = arith.constant 0 : i32
    %dma_start3A_110 = arith.constant 0 : i32
    %dma_start3A_111 = tpu.memref_slice %arg11[%dma_start3A_109, %dma_start3A_110] : memref<10000x128xf32, #tpu.memory_space<vmem_shared>> -> memref<10000x128xf32, #tpu.memory_space<vmem_shared>>
    tpu.enqueue_indirect_dma source(%arg8 : memref<80x128xf32, #tpu.memory_space<vmem>>) target(%dma_start3A_111 : memref<10000x128xf32, #tpu.memory_space<vmem_shared>>) offsets(%dma_start3A_108 : memref<80xi32, #tpu.memory_space<vmem>>) semaphore(%arg15 : memref<!tpu.dma_semaphore, #tpu.memory_space<semaphore_mem>>) {add = true}
    %dma_wait3A_112 = arith.constant 122 : i32
    %dma_wait3A_113 = arith.constant 0 : i32
    %dma_wait3A_114 = tpu.memref_slice %arg7[%dma_wait3A_112, %dma_wait3A_113] : memref<125x80xi32, #tpu.memory_space<vmem>> -> memref<1x80xi32, #tpu.memory_space<vmem>>
    %dma_wait3A_115 = tpu.memref_squeeze %dma_wait3A_114 : memref<1x80xi32, #tpu.memory_space<vmem>> -> memref<80xi32, #tpu.memory_space<vmem>>
    %dma_wait3A_116 = arith.constant 0 : i32
    %dma_wait3A_117 = arith.constant 0 : i32
    %dma_wait3A_118 = tpu.memref_slice %arg11[%dma_wait3A_116, %dma_wait3A_117] : memref<10000x128xf32, #tpu.memory_space<vmem_shared>> -> memref<10000x128xf32, #tpu.memory_space<vmem_shared>>
    tpu.wait_indirect_dma semaphore(%arg17 : memref<!tpu.dma_semaphore, #tpu.memory_space<semaphore_mem>>) src(%arg10 : memref<80x128xf32, #tpu.memory_space<vmem>>) dst(%dma_wait3A_118 : memref<10000x128xf32, #tpu.memory_space<vmem_shared>>)
    %dma_wait3A_119 = arith.constant 124 : i32
    %dma_wait3A_120 = arith.constant 0 : i32
    %dma_wait3A_121 = tpu.memref_slice %arg6[%dma_wait3A_119, %dma_wait3A_120] : memref<125x80xi32, #tpu.memory_space<vmem>> -> memref<1x80xi32, #tpu.memory_space<vmem>>
    %dma_wait3A_122 = tpu.memref_squeeze %dma_wait3A_121 : memref<1x80xi32, #tpu.memory_space<vmem>> -> memref<80xi32, #tpu.memory_space<vmem>>
    %dma_wait3A_123 = arith.constant 0 : i32
    %dma_wait3A_124 = arith.constant 0 : i32
    %dma_wait3A_125 = tpu.memref_slice %arg2[%dma_wait3A_123, %dma_wait3A_124] : memref<10000x128xf32, #tpu.memory_space<hbm>> -> memref<10000x128xf32, #tpu.memory_space<hbm>>
    tpu.wait_indirect_dma semaphore(%arg13 : memref<!tpu.dma_semaphore, #tpu.memory_space<semaphore_mem>>) src(%dma_wait3A_125 : memref<10000x128xf32, #tpu.memory_space<hbm>>) dst(%arg9 : memref<80x128xf32, #tpu.memory_space<vmem>>)
    %dma_start3A_126 = arith.constant 124 : i32
    %dma_start3A_127 = arith.constant 0 : i32
    %dma_start3A_128 = tpu.memref_slice %arg7[%dma_start3A_126, %dma_start3A_127] : memref<125x80xi32, #tpu.memory_space<vmem>> -> memref<1x80xi32, #tpu.memory_space<vmem>>
    %dma_start3A_129 = tpu.memref_squeeze %dma_start3A_128 : memref<1x80xi32, #tpu.memory_space<vmem>> -> memref<80xi32, #tpu.memory_space<vmem>>
    %dma_start3A_130 = arith.constant 0 : i32
    %dma_start3A_131 = arith.constant 0 : i32
    %dma_start3A_132 = tpu.memref_slice %arg11[%dma_start3A_130, %dma_start3A_131] : memref<10000x128xf32, #tpu.memory_space<vmem_shared>> -> memref<10000x128xf32, #tpu.memory_space<vmem_shared>>
    tpu.enqueue_indirect_dma source(%arg9 : memref<80x128xf32, #tpu.memory_space<vmem>>) target(%dma_start3A_132 : memref<10000x128xf32, #tpu.memory_space<vmem_shared>>) offsets(%dma_start3A_129 : memref<80xi32, #tpu.memory_space<vmem>>) semaphore(%arg16 : memref<!tpu.dma_semaphore, #tpu.memory_space<semaphore_mem>>) {add = true}
    %dma_wait3A_133 = arith.constant 123 : i32
    %dma_wait3A_134 = arith.constant 0 : i32
    %dma_wait3A_135 = tpu.memref_slice %arg7[%dma_wait3A_133, %dma_wait3A_134] : memref<125x80xi32, #tpu.memory_space<vmem>> -> memref<1x80xi32, #tpu.memory_space<vmem>>
    %dma_wait3A_136 = tpu.memref_squeeze %dma_wait3A_135 : memref<1x80xi32, #tpu.memory_space<vmem>> -> memref<80xi32, #tpu.memory_space<vmem>>
    %dma_wait3A_137 = arith.constant 0 : i32
    %dma_wait3A_138 = arith.constant 0 : i32
    %dma_wait3A_139 = tpu.memref_slice %arg11[%dma_wait3A_137, %dma_wait3A_138] : memref<10000x128xf32, #tpu.memory_space<vmem_shared>> -> memref<10000x128xf32, #tpu.memory_space<vmem_shared>>
    tpu.wait_indirect_dma semaphore(%arg15 : memref<!tpu.dma_semaphore, #tpu.memory_space<semaphore_mem>>) src(%arg8 : memref<80x128xf32, #tpu.memory_space<vmem>>) dst(%dma_wait3A_139 : memref<10000x128xf32, #tpu.memory_space<vmem_shared>>)
    %dma_wait3A_140 = arith.constant 124 : i32
    %dma_wait3A_141 = arith.constant 0 : i32
    %dma_wait3A_142 = tpu.memref_slice %arg7[%dma_wait3A_140, %dma_wait3A_141] : memref<125x80xi32, #tpu.memory_space<vmem>> -> memref<1x80xi32, #tpu.memory_space<vmem>>
    %dma_wait3A_143 = tpu.memref_squeeze %dma_wait3A_142 : memref<1x80xi32, #tpu.memory_space<vmem>> -> memref<80xi32, #tpu.memory_space<vmem>>
    %dma_wait3A_144 = arith.constant 0 : i32
    %dma_wait3A_145 = arith.constant 0 : i32
    %dma_wait3A_146 = tpu.memref_slice %arg11[%dma_wait3A_144, %dma_wait3A_145] : memref<10000x128xf32, #tpu.memory_space<vmem_shared>> -> memref<10000x128xf32, #tpu.memory_space<vmem_shared>>
    tpu.wait_indirect_dma semaphore(%arg16 : memref<!tpu.dma_semaphore, #tpu.memory_space<semaphore_mem>>) src(%arg9 : memref<80x128xf32, #tpu.memory_space<vmem>>) dst(%dma_wait3A_146 : memref<10000x128xf32, #tpu.memory_space<vmem_shared>>)
    %barrier3A_147 = arith.constant 0 : index
    tpu.barrier barrier_id(%barrier3A_147)
    "tpu.region"() ({
      %run_scoped3A_148 = tpu.sem_alloc : memref<!tpu.dma_semaphore, #tpu.memory_space<semaphore_mem>>
      %dma_start3A_149 = arith.constant 0 : i32
      %dma_start3A_150 = arith.constant 0 : i32
      %dma_start3A_151 = tpu.memref_slice %arg5[%arg0, %dma_start3A_149, %dma_start3A_150] : memref<2x10000x128xf32, #tpu.memory_space<hbm>> -> memref<1x10000x128xf32, #tpu.memory_space<hbm>>
      %dma_start3A_152 = tpu.memref_squeeze %dma_start3A_151 : memref<1x10000x128xf32, #tpu.memory_space<hbm>> -> memref<10000x128xf32, #tpu.memory_space<hbm>>
      %dma_start3A_153 = arith.constant 0 : i32
      %dma_start3A_154 = tpu.memref_slice %dma_start3A_152[%multiple_of3A, %dma_start3A_153] : memref<10000x128xf32, #tpu.memory_space<hbm>> -> memref<625x128xf32, #tpu.memory_space<hbm>>
      %dma_start3A_155 = arith.constant 0 : i32
      %dma_start3A_156 = tpu.memref_slice %arg11[%multiple_of3A, %dma_start3A_155] : memref<10000x128xf32, #tpu.memory_space<vmem_shared>> -> memref<625x128xf32, #tpu.memory_space<vmem_shared>>
      tpu.enqueue_dma source(%dma_start3A_156 : memref<625x128xf32, #tpu.memory_space<vmem_shared>>) target(%dma_start3A_154 : memref<625x128xf32, #tpu.memory_space<hbm>>) target_semaphore(%run_scoped3A_148 : memref<!tpu.dma_semaphore, #tpu.memory_space<semaphore_mem>>)
      %dma_wait3A_157 = arith.constant 0 : i32
      %dma_wait3A_158 = arith.constant 0 : i32
      %dma_wait3A_159 = tpu.memref_slice %arg5[%arg0, %dma_wait3A_157, %dma_wait3A_158] : memref<2x10000x128xf32, #tpu.memory_space<hbm>> -> memref<1x10000x128xf32, #tpu.memory_space<hbm>>
      %dma_wait3A_160 = tpu.memref_squeeze %dma_wait3A_159 : memref<1x10000x128xf32, #tpu.memory_space<hbm>> -> memref<10000x128xf32, #tpu.memory_space<hbm>>
      %dma_wait3A_161 = arith.constant 0 : i32
      %dma_wait3A_162 = tpu.memref_slice %dma_wait3A_160[%multiple_of3A, %dma_wait3A_161] : memref<10000x128xf32, #tpu.memory_space<hbm>> -> memref<625x128xf32, #tpu.memory_space<hbm>>
      %dma_wait3A_163 = arith.constant 0 : i32
      %dma_wait3A_164 = tpu.memref_slice %arg11[%multiple_of3A, %dma_wait3A_163] : memref<10000x128xf32, #tpu.memory_space<vmem_shared>> -> memref<625x128xf32, #tpu.memory_space<vmem_shared>>
      tpu.wait_dma2 semaphore(%run_scoped3A_148 : memref<!tpu.dma_semaphore, #tpu.memory_space<semaphore_mem>>) src(%dma_wait3A_164 : memref<625x128xf32, #tpu.memory_space<vmem_shared>>) dst(%dma_wait3A_162 : memref<625x128xf32, #tpu.memory_space<hbm>>)
      tpu.yield
    }) : () -> ()
    return
  }
}

module attributes {stable_mosaic.version = 14 : i64} {
  func.func @body(%arg0: i32, %arg1: memref<2x2000x128xf32, #tpu.memory_space<vmem>>, %arg2: memref<128x128xf32, #tpu.memory_space<vmem>>, %arg3: memref<1x128xf32, #tpu.memory_space<vmem>>, %arg4: memref<2000x128xf32, #tpu.memory_space<vmem>>) attributes {dimension_semantics = [#tpu.dimension_semantics<arbitrary>], iteration_bounds = array<i64: 5>, scalar_prefetch = 0 : i64, scratch_operands = 0 : i64, tpu.core_type = #tpu.core_type<tc>, window_params = [{transform_indices = @transform_0, window_bounds = array<i64: 2, 2000, 128>}, {pipeline_mode = #tpu.pipeline_mode<synchronous>, transform_indices = @transform_1, window_bounds = array<i64: 128, 128>}, {pipeline_mode = #tpu.pipeline_mode<synchronous>, transform_indices = @transform_2, window_bounds = array<i64: 1, 128>}, {transform_indices = @transform_3, window_bounds = array<i64: 2000, 128>}]} {
    %get3A = arith.constant 0 : index
    %get3A_0 = arith.constant 0 : index
    %get3A_1 = arith.constant 0 : index
    %get3A_2 = vector.load %arg1[%get3A, %get3A_0, %get3A_1] : memref<2x2000x128xf32, #tpu.memory_space<vmem>>, vector<1x2000x128xf32>
    %get3A_3 = vector.shape_cast %get3A_2 : vector<1x2000x128xf32> to vector<2000x128xf32>
    %get3A_4 = arith.constant 1 : index
    %get3A_5 = arith.constant 0 : index
    %get3A_6 = arith.constant 0 : index
    %get3A_7 = vector.load %arg1[%get3A_4, %get3A_5, %get3A_6] : memref<2x2000x128xf32, #tpu.memory_space<vmem>>, vector<1x2000x128xf32>
    %get3A_8 = vector.shape_cast %get3A_7 : vector<1x2000x128xf32> to vector<2000x128xf32>
    %add3A = arith.addf %get3A_3, %get3A_8 : vector<2000x128xf32>
    %get3A_9 = arith.constant 0 : index
    %get3A_10 = arith.constant 0 : index
    %get3A_11 = vector.load %arg2[%get3A_9, %get3A_10] : memref<128x128xf32, #tpu.memory_space<vmem>>, vector<128x128xf32>
    %dot_general3A = arith.constant dense<0.000000e+00> : vector<2000x128xf32>
    %dot_general3A_12 = tpu.matmul %add3A, %get3A_11, %dot_general3A {dimension_numbers = #tpu.dot_dimension_numbers<[1], [1], [0], [0], [0, 0, 1, 0], [], []>, transpose_lhs_hint = false} : vector<2000x128xf32>, vector<128x128xf32>, vector<2000x128xf32> -> vector<2000x128xf32>
    %get3A_13 = arith.constant 0 : index
    %get3A_14 = arith.constant 0 : index
    %get3A_15 = vector.load %arg3[%get3A_13, %get3A_14] : memref<1x128xf32, #tpu.memory_space<vmem>>, vector<1x128xf32>
    %add3A_16 = vector.broadcast %get3A_15 : vector<1x128xf32> to vector<2000x128xf32>
    %add3A_17 = arith.addf %dot_general3A_12, %add3A_16 : vector<2000x128xf32>
    %swap3A = arith.constant 0 : index
    %swap3A_18 = arith.constant 0 : index
    %swap3A_19 = vector.load %arg4[%swap3A, %swap3A_18] : memref<2000x128xf32, #tpu.memory_space<vmem>>, vector<2000x128xf32>
    tpu.vector_store %arg4[%swap3A, %swap3A_18], %add3A_17 {strides = array<i32>} : memref<2000x128xf32, #tpu.memory_space<vmem>>, vector<2000x128xf32>,
    return
  }
  func.func @transform_0(%arg0: i32) -> (i32, i32, i32) {
    %c0_i32 = arith.constant 0 : i32
    %c0_i32_0 = arith.constant 0 : i32
    %c0_i32_1 = arith.constant 0 : i32
    return %c0_i32, %arg0, %c0_i32_0 : i32, i32, i32
  }
  func.func @transform_1(%arg0: i32) -> (i32, i32) {
    %c0_i32 = arith.constant 0 : i32
    %c0_i32_0 = arith.constant 0 : i32
    %c0_i32_1 = arith.constant 0 : i32
    return %c0_i32, %c0_i32_0 : i32, i32
  }
  func.func @transform_2(%arg0: i32) -> (i32, i32) {
    %c0_i32 = arith.constant 0 : i32
    %c0_i32_0 = arith.constant 0 : i32
    %c0_i32_1 = arith.constant 0 : i32
    return %c0_i32, %c0_i32_0 : i32, i32
  }
  func.func @transform_3(%arg0: i32) -> (i32, i32) {
    %c0_i32 = arith.constant 0 : i32
    %c0_i32_0 = arith.constant 0 : i32
    return %arg0, %c0_i32 : i32, i32
  }
}

</mosaic_0001>

<sc_bundles>
// kernel: kernel.4.cloned.1.call-start
scs
__scs_entry_jumppad:
0x0: {  	(pc) =	sbr.rel $0x88, $3  }
0x1: {  	(tag) =	ssettag $0x0;
	lr =	simm.s32 $0x1  }
0x2: {  	[smem:$0x3F9D] =	sst lr;
	_ =	strace $0xD0000000  }
0x3: {  	_ = 	snop  }
0x4: {  	_ = 	snop  }
0x5: {  	_ = 	snop  }
0x6: {  	_ = 	snop  }
0x7: {  	_ = 	snop  }
__scs_overlays_trampoline_lowered:
0x8: {  	[smem:$0x3FAC] =	sst s0  }
0x9: {  	[smem:$0x3FAD] =	sst s1  }
0xa: {  	[smem:$0x3FAE] =	sst s2  }
0xb: {  	[smem:$0x3FAF] =	sst s3  }
0xc: {  	[smem:$0x3FB0] =	sst s4  }
0xd: {  	[smem:$0x3FB1] =	sst s5  }
0xe: {  	[smem:$0x3FB2] =	sst s6  }
0xf: {  	[smem:$0x3FB3] =	sst s7  }
0x10: {  	[smem:$0x3FB4] =	sst s8  }
0x11: {  	[smem:$0x3FB5] =	sst s9;
	s0 =	simm.s32 @!p0 $0x0  }
0x12: {  	s1 =	sld [smem:$0x3F9B];
	s0 =	simm.s32 @p0 $0x1  }
0x13: {  	[smem:$0x3FB6] =	sst s0;
	s0 =	simm.s32 @!p1 $0x0  }
0x14: {  	s2 =	sld [smem:$0x3F9A];
	s0 =	simm.s32 @p1 $0x1  }
0x15: {  	[smem:$0x3FB7] =	sst s0;
	s0 =	simm.s32 @!p2 $0x0  }
0x16: {  	s3 =	sld [smem:$0x3FDB];
	s0 =	simm.s32 @p2 $0x1  }
0x17: {  	s4 =	simm.s32 $0x1BF5;
	[smem:$0x3FB9] =	sst s0  }
0x18: {  	s0 =	sld [smem:$0x3F9C];
	_ =	swait.ge [sflag:s4], $0x0  }
0x19: {  	s7 =	sld [smem:$0x3F9D]  }
0x1a: {  	s8 =	sadd.s32 $0xFFFFE003, lr  }
0x1b: {  	s9 =	sadd.s32 $0xFFFFFEF7, lr;
	s5 =	simm.s32 $0xFFFFFFFF;
	p2 =	slt.u32 s8, $0xFFFFF086  }
0x1c: {  	p1 =	slt.u32 s9, $0xF7A;
	s5 =	simm.s32 @!p2 $0x0  }
0x1d: {  	s5 =	simm.s32 @p1 $0x1;
	p0 =	seq.s32 s7, s2  }
0x1e: {  	s7 =	smul.u32 @!p0 $0xF7A, s2;
	p2 =	seq.s32 @!p0 s5, $0x0  }
0x1f: {  	s9 =	smul.u32 $0xF7A, s1;
	s8 =	simm.s32 @!p0 $0x1BF5;
	p2 =	por !p2, p0  }
0x20: {  	[sflag:s8] =	ssyncset.s32 @!p0 $0xFFFFF086;
	s6 =	sadd.s32 @!p0 s3, s7;
	s7 =	simm.s32 @!p0 $0x108  }
0x21: {  	s3 =	sadd.s32 s3, s9;
	s6 =	sadd.s32 @!p0 $0x88, s6;
	s7 =	simm.s32 @p2 $0x1082  }
0x22: {  	[simem:s7], [sflag:s8] =	dma.local @!p0 [hbm:s6], $0xF7A  }
0x23: {  	s9 =	sor.u32 $0xD0000000, s2;
	s6 =	simm.s32 $0x108;
	_ =	swait.ge @!p0 [sflag:s8], $0x0  }
0x24: {  	s3 =	sadd.s32 $0x88, s3;
	s6 =	simm.s32 @!p1 $0x1082;
	[sflag:s4] =	ssyncset.s32 $0xFFFFF086  }
0x25: {  	[simem:s6], [sflag:s4] =	dma.local [hbm:s3], $0xF7A  }
0x26: {  	[smem:$0x3F9D] =	sst s1;
	(tag) =	ssettag s2;
	_ =	strace s9  }
0x27: {  	s1 =	sld [smem:$0x3FAD]  }
0x28: {  	s2 =	sld [smem:$0x3FAE]  }
0x29: {  	s4 =	sld [smem:$0x3FB0]  }
0x2a: {  	p0 =	seq.s32 s5, $0x0;
	s5 =	sld [smem:$0x3FB1]  }
0x2b: {  	s6 =	sld [smem:$0x3FB2]  }
0x2c: {  	s7 =	sld [smem:$0x3FB3]  }
0x2d: {  	s3 =	simm.s32 $0x108;
	s8 =	sld [smem:$0x3FB4]  }
0x2e: {  	s3 =	simm.s32 @!p0 $0x1082;
	s9 =	sld [smem:$0x3FB5]  }
0x2f: {  	lr =	sadd.s32 s0, s3;
	s0 =	sld [smem:$0x3FAC]  }
0x30: {  	s3 =	sld [smem:$0x3FAF]  }
0x31: {  	[smem:$0x3FB8] =	sst s10  }
0x32: {  	s10 =	sld [smem:$0x3FB6];
	_ =	sdelay $0x3  }
0x33: {  	p0 =	seq.s32 s10, $0x1;
	s10 =	sld [smem:$0x3FB8];
	_ =	sdelay $0x3  }
0x34: {  	[smem:$0x3FB8] =	sst s10  }
0x35: {  	s10 =	sld [smem:$0x3FB7];
	_ =	sdelay $0x3  }
0x36: {  	p1 =	seq.s32 s10, $0x1;
	s10 =	sld [smem:$0x3FB8];
	_ =	sdelay $0x3  }
0x37: {  	[smem:$0x3FB8] =	sst s10  }
0x38: {  	s10 =	sld [smem:$0x3FB9]  }
0x39: {  	_ = 	snop;
	(pc) =	sbr.ind lr, $3  }
0x3a: {  	_ = 	snop  }
0x3b: {  	_ = 	snop  }
0x3c: {  	p2 =	seq.s32 s10, $0x1;
	s10 =	sld [smem:$0x3FB8]  }
0x3d: {  	_ =	shalt  }
0x3e: {  	_ =	shalt  }
0x3f: {  	_ =	shalt  }
0x40: {  	_ =	shalt  }
0x41: {  	_ =	shalt  }
0x42: {  	_ =	shalt  }
0x43: {  	_ =	shalt  }
0x44: {  	_ =	shalt  }
0x45: {  	_ =	shalt  }
0x46: {  	_ =	shalt  }
0x47: {  	_ =	shalt  }
0x48: {  	_ =	shalt  }
0x49: {  	_ =	shalt  }
0x4a: {  	_ =	shalt  }
0x4b: {  	_ =	shalt  }
0x4c: {  	_ =	shalt  }
0x4d: {  	_ =	shalt  }
0x4e: {  	_ =	shalt  }
0x4f: {  	_ =	shalt  }
0x50: {  	_ =	shalt  }
0x51: {  	_ =	shalt  }
0x52: {  	_ =	shalt  }
0x53: {  	_ =	shalt  }
0x54: {  	_ =	shalt  }
0x55: {  	_ =	shalt  }
0x56: {  	_ =	shalt  }
0x57: {  	_ =	shalt  }
0x58: {  	_ =	shalt  }
0x59: {  	_ =	shalt  }
0x5a: {  	_ =	shalt  }
0x5b: {  	_ =	shalt  }
0x5c: {  	_ =	shalt  }
0x5d: {  	_ =	shalt  }
0x5e: {  	_ =	shalt  }
0x5f: {  	_ =	shalt  }
0x60: {  	_ =	shalt  }
0x61: {  	_ =	shalt  }
0x62: {  	_ =	shalt  }
0x63: {  	_ =	shalt  }
0x64: {  	_ =	shalt  }
0x65: {  	_ =	shalt  }
0x66: {  	_ =	shalt  }
0x67: {  	_ =	shalt  }
0x68: {  	_ =	shalt  }
0x69: {  	_ =	shalt  }
0x6a: {  	_ =	shalt  }
0x6b: {  	_ =	shalt  }
0x6c: {  	_ =	shalt  }
0x6d: {  	_ =	shalt  }
0x6e: {  	_ =	shalt  }
0x6f: {  	_ =	shalt  }
0x70: {  	_ =	shalt  }
0x71: {  	_ =	shalt  }
0x72: {  	_ =	shalt  }
0x73: {  	_ =	shalt  }
0x74: {  	_ =	shalt  }
0x75: {  	_ =	shalt  }
0x76: {  	_ =	shalt  }
0x77: {  	_ =	shalt  }
0x78: {  	_ =	shalt  }
0x79: {  	_ =	shalt  }
0x7a: {  	_ =	shalt  }
0x7b: {  	_ =	shalt  }
0x7c: {  	_ =	shalt  }
0x7d: {  	_ =	shalt  }
0x7e: {  	_ =	shalt  }
0x7f: {  	_ =	shalt  }
0x80: {  	_ =	shalt  }
0x81: {  	_ =	shalt  }
0x82: {  	_ =	shalt  }
0x83: {  	_ =	shalt  }
0x84: {  	_ =	shalt  }
0x85: {  	_ =	shalt  }
0x86: {  	_ =	shalt  }
0x87: {  	_ =	shalt  }
.Lfunc_end0:
.L_simem_size_0:
called_computation_lowered:
.L_overlay_start_0:
0x88: {  	s2 =	sld [smem:$0x3FD9]  }
0x89: {  	s3 =	sld [smem:$0x3FFE];
	_ =	sdelay $0x1  }
0x8a: {  	s1 =	srdreg.scid  }
0x8b: {  	s0 =	sand.u32 $0x1, s1  }
0x8c: {  	s17 =	sshll.u32 s0, $0xA;
	s2 =	sadd.s32 s3, s2  }
0x8d: {  	s2 =	sadd.s32 s2, s17  }
0x8e: {  	[smem:$0x3FC4] =	sst s2  }
0x8f: {  	_ = 	snop  }
0x90: {  	s2 =	sld [smem:$0x3FC9]  }
0x91: {  	s18 =	sld [smem:$0x3FD0];
	(tm) =	ssettm $0x1  }
0x92: {  	s4 =	sld [smem:$0x3FFB];
	_ =	sdelay $0x3  }
0x93: {  	_ =	strace s4  }
0x94: {  	s4 =	sld [smem:$0x3FFC];
	_ =	sdelay $0x3  }
0x95: {  	_ =	strace s4  }
0x96: {  	s4 =	sld [smem:$0x3FFD];
	_ =	sdelay $0x3  }
0x97: {  	_ =	strace s4  }
0x98: {  	_ =	strace $0x8FFFFFFF  }
0x99: {  	s19 =	sld [smem:$0x3FDB];
	_ =	sdelay $0x1  }
0x9a: {  	s5 =	simm.s32 $_scs_section_size  }
0x9b: {  	s6 =	simm.s32 $_size__tile_overlayer_lowered;
	s7 =	simm.s32 $_tile_overlayer_lowered  }
0x9c: {  	s22 =	simm.s32 $0x1BFF;
	s21 =	sshll.u32 s7, $0x1;
	s4 =	sadd.s32 s5, s19  }
0x9d: {  	s8 =	simm.s32 $0x0;
	s20 =	sshll.u32 s6, $0x1;
	s6 =	sadd.s32 s21, s4  }
0x9e: {  	[timem:s8], [sflag:s22] =	dma.local [hbm:s6], s20  }
0x9f: {  	_ =	swait.ge [sflag:s22], s20  }
0xa0: {  	s5 =	ssub.s32 $0x0, s20;
	[sflag:s22] =	ssyncset.done $0x0  }
0xa1: {  	[sflag:s22] =	ssyncadd.s32 s5;
	_ =	sdelay $0x1  }
0xa2: {  	s23 =	simm.s32 $0x1B8B  }
0xa3: {  	_ =	swait.ge [sflag:s23], $0x1  }
0xa4: {  	[sflag:s23] =	ssyncset.done $0x0  }
0xa5: {  	s25 =	simm.s32 $0x1B8E;
	s24 =	sld [smem:$0x3FFE];
	[sflag:s23] =	ssyncadd.s32 $0xFFFFFFFF  }
0xa6: {  	s26 =	simm.s32 $execute0_lowered;
	[smem:$0x3FD2] =	sst s25  }
0xa7: {  	s6 =	sshll.u32 s26, $0x1;
	_ =	strace $0x80000046;
	[dreg:$0x1] =	wrdreg $0xFFFFFFFF  }
0xa8: {  	s28 =	simm.s32 $_size_execute0_lowered;
	s4 =	sadd.s32 s4, s6;
	[dreg:$0x0] =	wrdreg $0x0  }
0xa9: {  	s6 =	sshll.u32 s28, $0x1;
	[dreg:$0x2] =	wrdreg s4  }
0xaa: {  	[dreg:$0x3] =	wrdreg s6  }
0xab: {  	[dreg:$0x4] =	wrdreg $0xC0  }
0xac: {  	_ =	task [dreg:s8], $0x5FFFF  }
0xad: {  	[dreg:$0x1] =	wrdreg $0xFFFFFFFF  }
0xae: {  	[dreg:$0x0] =	wrdreg $0x60  }
0xaf: {  	[dreg:$0x2] =	wrdreg s2  }
0xb0: {  	[dreg:$0x3] =	wrdreg s18  }
0xb1: {  	[dreg:$0x4] =	wrdreg s24  }
0xb2: {  	[dreg:$0x5] =	wrdreg $0xC6200  }
0xb3: {  	[dreg:$0x6] =	wrdreg $0x9  }
0xb4: {  	_ =	task.clear_ibuf [dreg:s8], $0x7FFFF;
	_ =	strace $0x90000046  }
0xb5: {  	s29 =	simm.s32 $0x9;
	_ =	strace $0x80000048  }
0xb6: {  	_ =	swait.ge [sflag:s29], $0x1  }
0xb7: {  	[sflag:s29] =	ssyncadd.s32 $0xFFFFFFFF  }
0xb8: {  	_ =	strace $0x90000048  }
0xb9: {  	_ =	sfence  }
0xba: {  	s30 =	sld [smem:$0x0];
	_ =	sdelay $0x2  }
0xbb: {  	s31 =	sshll.u32 s1, $0xD;
	s1 =	sshrl.u32 s1, $0x2  }
0xbc: {  	s3 =	sand.u32 $0x4000, s31;
	s1 =	sadd.s32 s1, s30  }
0xbd: {  	s0 =	sor.u32 s3, s0;
	s1 =	sshll.u32 s1, $0x11  }
0xbe: {  	s0 =	sor.u32 s1, s0  }
0xbf: {  	s0 =	sadd.s32 $0x8F2B, s0  }
0xc0: {  	[sflag:s0] =	ssyncadd.remote.s32 $0x1  }
0xc1: {  	_ =	sfence.sel $0xFFFF  }
0xc2: {  	[dreg:$0x0] =	wrdreg $0xFFFFFFFF;
	(pc) =	sbr.abs _section_cstart, $3  }
0xc3: {  	[dreg:$0x1] =	wrdreg $0xFFFFFFFF  }
0xc4: {  	_ =	task.clear_ibuf [dreg:s8], $0x2FFFF;
	_ =	strace $0x9FFFFFFF  }
0xc5: {  	(tm) =	ssettm $0x7FFFFFFF  }
tec
execute0_lowered:
.L_overlay_start_1:
0x0: {  	(tag) =	ssettag $0x1  }
0x1: {  	s1 =	rddreg [dreg:$0x0]  }
0x2: {  	s0 =	rddreg [dreg:$0x1]  }
0x3: {  	s4 =	rddreg [dreg:$0x2]  }
0x4: {  	s2 =	rddreg [dreg:$0x3]  }
0x5: {  	s3 =	simm.s32 $0x0;
	s5 =	srdreg.scid;
	s12 =	stileid.u32  }
0x6: {  	s13 =	simm.s32 $0x50;
	s14 =	simm.s32 $0x4E20;
	s15 =	simm.s32 $0x7620  }
0x7: {  	s16 =	simm.s32 $0x1;
	s18 =	simm.s32 $0x9E20;
	s19 =	simm.s32 $0x2  }
0x8: {  	s21 =	simm.s32 $0x4;
	s22 =	simm.s32 $0xF0;
	s23 =	simm.s32 $0x3  }
0x9: {  	s28 =	simm.s32 $0x4D30;
	s29 =	simm.s32 $0x26C0;
	s30 =	simm.s32 $0x4D80  }
0xa: {  	s31 =	simm.s32 $0x4DD0;
	[smem:$0x7FF] =	sst s3;
	s5 =	sand.u32 $0x1, s5  }
0xb: {  	s9 =	smul.u32 $0x13880, s12;
	s25 =	sshll.u32 s12, $0x6;
	_ =	strace $0x80000047  }
0xc: {  	s6 =	smul.u32 $0x27100, s5;
	s7 =	sshll.u32 s5, $0x4;
	s8 =	ssub.s32 $0x2, s5  }
0xd: {  	s5 =	sadd.s32 $0xA00, s4;
	s7 =	sor.u32 s12, s7;
	s10 =	sshrl.u32 s8, $0x1  }
0xe: {  	s26 =	sadd.s32 s9, s2;
	s17 =	sshrl.u32 s9, $0x3;
	s12 =	simm.s32 $0x2710  }
0xf: {  	s11 =	smul.u32 $0x4E2, s7;
	s4 =	sadd.s32 s6, s4;
	s8 =	ssub.s32 s8, s10  }
0x10: {  	s6 =	sor.u32 $0x1C07, s25;
	s9 =	sshrl.u32 s26, $0x3;
	s10 =	simm.s32 $0x7  }
0x11: {  	s25 =	simm.s32 $0x5;
	s26 =	simm.s32 $0x6;
	s4 =	sadd.s32 $0x3200, s4  }
0x12: {  	s8 =	smax.u32 s8, $0x1;
	s7 =	sadd.s32 s0, s11;
	s0 =	sadd.s32 $0x9C40, s0  }
0x13: {  	s24 =	sadd.s32 s17, s4;
	s11 =	sadd.s32 s11, s0;
	s0 =	simm.s32 $0x0  }
.LBB2_1:
0x14: {  	[spmem:s9], [sflag:s6] =	dma.local [hbm:s5], $0x2710  }
0x15: {  	_ =	swait.ge [sflag:s10], $0x2710  }
0x16: {  	[sflag:s10] =	ssyncset.done $0x0  }
0x17: {  	[sflag:s10] =	ssyncadd.s32 $0xFFFFD8F0  }
0x18: {  	[tilespmem:s3], [sflag:$0x7] =	stream.linear.gather [hbm4b:s7+s3], $0x2710, $0x38;
	[tilespmem:$0x1FEA0] =	vst v63  }
0x19: {  	_ =	swait.ge [sflag:s10], $0x2710  }
0x1a: {  	[sflag:s10] =	ssyncset.done $0x0  }
0x1b: {  	[sflag:s10] =	ssyncadd.s32 $0xFFFFD8F0  }
0x1c: {  	[tilespmem:s12], [sflag:$0x7] =	stream.linear.gather [hbm4b:s11+s3], $0x2710, $0x38;
	[tilespmem:$0x1FEA0] =	vst v63  }
0x1d: {  	_ =	swait.ge [sflag:s10], $0x2710  }
0x1e: {  	[sflag:s10] =	ssyncset.done $0x0  }
0x1f: {  	[sflag:s10] =	ssyncadd.s32 $0xFFFFD8F0  }
0x20: {  	[tilespmem:s14], [sflag:$0x1] =	stream.indirect.gather [hbm4b:s1+s13], $0x80, s3, s13, $0xb8;
	[tilespmem:$0x1FEA0] =	vst v63  }
0x21: {  	_ = 	snop  }
0x22: {  	[tilespmem:s15], [sflag:$0x2] =	stream.indirect.gather [hbm4b:s1+s13], $0x80, s13, s13, $0xb8;
	[tilespmem:$0x1FEA0] =	vst v63  }
0x23: {  	[bflag:$0x0] =	sbarrier.arrive $0xFFFF  }
0x24: {  	_ =	swait.ge [sflag:s16], $0x2800  }
0x25: {  	[sflag:s16] =	ssyncset.done $0x0  }
0x26: {  	[sflag:s16] =	ssyncadd.s32 $0xFFFFD800  }
0x27: {  	[spmem:s2] =	stream.indirect.scatter.add.f32 [tilespmem:s14], [sflag:$0x4], $0x80, s12, s13, $0xb8;
	[tilespmem:$0x1FEA0] =	vst v63  }
0x28: {  	s4 =	simm.s32 $0xA0  }
0x29: {  	[tilespmem:s18], [sflag:$0x3] =	stream.indirect.gather [hbm4b:s1+s13], $0x80, s4, s13, $0xb8;
	[tilespmem:$0x1FEA0] =	vst v63  }
0x2a: {  	_ =	swait.ge [sflag:s19], $0x2800  }
0x2b: {  	[sflag:s19] =	ssyncset.done $0x0  }
0x2c: {  	s17 =	simm.s32 $0x2760;
	[sflag:s19] =	ssyncadd.s32 $0xFFFFD800  }
0x2d: {  	[spmem:s2] =	stream.indirect.scatter.add.f32 [tilespmem:s15], [sflag:$0x5], $0x80, s17, s13, $0xb8;
	[tilespmem:$0x1FEA0] =	vst v63  }
0x2e: {  	_ =	swait.ge [sflag:s21], $0x2800  }
0x2f: {  	[sflag:s21] =	ssyncset.done $0x0  }
0x30: {  	[sflag:s21] =	ssyncadd.s32 $0xFFFFD800  }
0x31: {  	[tilespmem:s14], [sflag:$0x1] =	stream.indirect.gather [hbm4b:s1+s13], $0x80, s22, s13, $0xb8;
	[tilespmem:$0x1FEA0] =	vst v63  }
0x32: {  	_ =	swait.ge [sflag:s23], $0x2800  }
0x33: {  	[sflag:s23] =	ssyncset.done $0x0  }
0x34: {  	s20 =	simm.s32 $0x27B0;
	[sflag:s23] =	ssyncadd.s32 $0xFFFFD800  }
0x35: {  	[spmem:s2] =	stream.indirect.scatter.add.f32 [tilespmem:s18], [sflag:$0x6], $0x80, s20, s13, $0xb8;
	[tilespmem:$0x1FEA0] =	vst v63  }
0x36: {  	_ =	swait.ge [sflag:s25], $0x2800  }
0x37: {  	[sflag:s25] =	ssyncset.done $0x0  }
0x38: {  	s17 =	simm.s32 $0x140;
	[sflag:s25] =	ssyncadd.s32 $0xFFFFD800  }
0x39: {  	[tilespmem:s15], [sflag:$0x2] =	stream.indirect.gather [hbm4b:s1+s13], $0x80, s17, s13, $0xb8;
	[tilespmem:$0x1FEA0] =	vst v63  }
0x3a: {  	_ =	swait.ge [sflag:s16], $0x2800  }
0x3b: {  	[sflag:s16] =	ssyncset.done $0x0  }
0x3c: {  	s20 =	simm.s32 $0x2800;
	[sflag:s16] =	ssyncadd.s32 $0xFFFFD800  }
0x3d: {  	[spmem:s2] =	stream.indirect.scatter.add.f32 [tilespmem:s14], [sflag:$0x4], $0x80, s20, s13, $0xb8;
	[tilespmem:$0x1FEA0] =	vst v63  }
0x3e: {  	_ =	swait.ge [sflag:s26], $0x2800  }
0x3f: {  	[sflag:s26] =	ssyncset.done $0x0  }
0x40: {  	s17 =	simm.s32 $0x190;
	[sflag:s26] =	ssyncadd.s32 $0xFFFFD800  }
0x41: {  	[tilespmem:s18], [sflag:$0x3] =	stream.indirect.gather [hbm4b:s1+s13], $0x80, s17, s13, $0xb8;
	[tilespmem:$0x1FEA0] =	vst v63  }
0x42: {  	_ =	swait.ge [sflag:s19], $0x2800  }
0x43: {  	[sflag:s19] =	ssyncset.done $0x0  }
0x44: {  	s20 =	simm.s32 $0x2850;
	[sflag:s19] =	ssyncadd.s32 $0xFFFFD800  }
0x45: {  	[spmem:s2] =	stream.indirect.scatter.add.f32 [tilespmem:s15], [sflag:$0x5], $0x80, s20, s13, $0xb8;
	[tilespmem:$0x1FEA0] =	vst v63  }
0x46: {  	_ =	swait.ge [sflag:s21], $0x2800  }
0x47: {  	[sflag:s21] =	ssyncset.done $0x0  }
0x48: {  	s4 =	simm.s32 $0x3C0;
	s17 =	simm.s32 $0x1E0;
	[sflag:s21] =	ssyncadd.s32 $0xFFFFD800  }
.LBB2_2:
0x49: {  	[tilespmem:s14], [sflag:$0x1] =	stream.indirect.gather [hbm4b:s1+s13], $0x80, s17, s13, $0xb8;
	[tilespmem:$0x1FEA0] =	vst v63  }
0x4a: {  	s17 =	smov.u32 s4  }
0x4b: {  	p0 =	sne.s32 s4, $0x9240;
	s4 =	sadd.s32 $0x3C0, s4;
	_ =	swait.ge [sflag:s23], $0x2800  }
0x4c: {  	s17 =	sshra.s32 s17, $0x2;
	[sflag:s23] =	ssyncset.done $0x0  }
0x4d: {  	s20 =	sadd.s32 $0x27B0, s17;
	[sflag:s23] =	ssyncadd.s32 $0xFFFFD800  }
0x4e: {  	[spmem:s2] =	stream.indirect.scatter.add.f32 [tilespmem:s18], [sflag:$0x6], $0x80, s20, s13, $0xb8;
	[tilespmem:$0x1FEA0] =	vst v63  }
0x4f: {  	_ =	swait.ge [sflag:s25], $0x2800  }
0x50: {  	[sflag:s25] =	ssyncset.done $0x0  }
0x51: {  	s20 =	sadd.s32 $0x140, s17;
	[sflag:s25] =	ssyncadd.s32 $0xFFFFD800  }
0x52: {  	[tilespmem:s15], [sflag:$0x2] =	stream.indirect.gather [hbm4b:s1+s13], $0x80, s20, s13, $0xb8;
	[tilespmem:$0x1FEA0] =	vst v63  }
0x53: {  	_ =	swait.ge [sflag:s16], $0x2800  }
0x54: {  	[sflag:s16] =	ssyncset.done $0x0  }
0x55: {  	s20 =	sadd.s32 $0x2800, s17;
	[sflag:s16] =	ssyncadd.s32 $0xFFFFD800  }
0x56: {  	[spmem:s2] =	stream.indirect.scatter.add.f32 [tilespmem:s14], [sflag:$0x4], $0x80, s20, s13, $0xb8;
	[tilespmem:$0x1FEA0] =	vst v63  }
0x57: {  	_ =	swait.ge [sflag:s26], $0x2800  }
0x58: {  	[sflag:s26] =	ssyncset.done $0x0  }
0x59: {  	s20 =	sadd.s32 $0x190, s17;
	[sflag:s26] =	ssyncadd.s32 $0xFFFFD800  }
0x5a: {  	[tilespmem:s18], [sflag:$0x3] =	stream.indirect.gather [hbm4b:s1+s13], $0x80, s20, s13, $0xb8;
	[tilespmem:$0x1FEA0] =	vst v63  }
0x5b: {  	_ =	swait.ge [sflag:s19], $0x2800  }
0x5c: {  	[sflag:s19] =	ssyncset.done $0x0  }
.Ltmp0:
0x5d: {  	s20 =	sadd.s32 $0x2850, s17;
	[sflag:s19] =	ssyncadd.s32 $0xFFFFD800;
	(pc) =	sbr.rel @p0 .LBB2_2-.Ltmp0, $4  }
0x5e: {  	[spmem:s2] =	stream.indirect.scatter.add.f32 [tilespmem:s15], [sflag:$0x5], $0x80, s20, s13, $0xb8;
	[tilespmem:$0x1FEA0] =	vst v63  }
0x5f: {  	_ =	swait.ge [sflag:s21], $0x2800  }
0x60: {  	[sflag:s21] =	ssyncset.done $0x0  }
0x61: {  	s17 =	sadd.s32 $0x1E0, s17;
	[sflag:s21] =	ssyncadd.s32 $0xFFFFD800  }
0x62: {  	[tilespmem:s14], [sflag:$0x1] =	stream.indirect.gather [hbm4b:s1+s13], $0x80, s17, s13, $0xb8;
	[tilespmem:$0x1FEA0] =	vst v63  }
0x63: {  	_ =	swait.ge [sflag:s23], $0x2800  }
0x64: {  	[sflag:s23] =	ssyncset.done $0x0  }
0x65: {  	[sflag:s23] =	ssyncadd.s32 $0xFFFFD800  }
0x66: {  	[spmem:s2] =	stream.indirect.scatter.add.f32 [tilespmem:s18], [sflag:$0x6], $0x80, s28, s13, $0xb8;
	[tilespmem:$0x1FEA0] =	vst v63  }
0x67: {  	_ =	swait.ge [sflag:s25], $0x2800  }
0x68: {  	[sflag:s25] =	ssyncset.done $0x0  }
0x69: {  	[sflag:s25] =	ssyncadd.s32 $0xFFFFD800  }
0x6a: {  	[tilespmem:s15], [sflag:$0x2] =	stream.indirect.gather [hbm4b:s1+s13], $0x80, s29, s13, $0xb8;
	[tilespmem:$0x1FEA0] =	vst v63  }
0x6b: {  	_ =	swait.ge [sflag:s16], $0x2800  }
0x6c: {  	[sflag:s16] =	ssyncset.done $0x0  }
0x6d: {  	[sflag:s16] =	ssyncadd.s32 $0xFFFFD800  }
0x6e: {  	[spmem:s2] =	stream.indirect.scatter.add.f32 [tilespmem:s14], [sflag:$0x4], $0x80, s30, s13, $0xb8;
	[tilespmem:$0x1FEA0] =	vst v63  }
0x6f: {  	_ =	swait.ge [sflag:s26], $0x2800  }
0x70: {  	[sflag:s26] =	ssyncset.done $0x0  }
0x71: {  	[sflag:s26] =	ssyncadd.s32 $0xFFFFD800  }
0x72: {  	_ =	swait.ge [sflag:s19], $0x2800  }
0x73: {  	[sflag:s19] =	ssyncset.done $0x0  }
0x74: {  	[sflag:s19] =	ssyncadd.s32 $0xFFFFD800  }
0x75: {  	[spmem:s2] =	stream.indirect.scatter.add.f32 [tilespmem:s15], [sflag:$0x5], $0x80, s31, s13, $0xb8;
	[tilespmem:$0x1FEA0] =	vst v63  }
0x76: {  	_ =	swait.ge [sflag:s21], $0x2800  }
0x77: {  	[sflag:s21] =	ssyncset.done $0x0  }
0x78: {  	[sflag:s21] =	ssyncadd.s32 $0xFFFFD800  }
0x79: {  	_ =	swait.ge [sflag:s25], $0x2800  }
0x7a: {  	s0 =	sadd.s32 $0x1, s0;
	[sflag:s25] =	ssyncset.done $0x0  }
0x7b: {  	p0 =	sne.s32 s0, s8;
	[sflag:s25] =	ssyncadd.s32 $0xFFFFD800  }
.Ltmp1:
0x7c: {  	[bflag:$0x0] =	sbarrier.arrive $0xFFFF;
	(pc) =	sbr.rel @p0 .LBB2_1-.Ltmp1, $4  }
0x7d: {  	[hbm:s24], [sflag:s6] =	dma.local [spmem:s9], $0x2710  }
0x7e: {  	_ =	swait.ge [sflag:s10], $0x2710  }
0x7f: {  	[sflag:s10] =	ssyncset.done $0x0  }
0x80: {  	[sflag:s10] =	ssyncadd.s32 $0xFFFFD8F0  }
0x81: {  	_ =	sfence.sel $0x180000  }
0x82: {  	[bflag:$0x0] =	sbarrier.arrive $0xFFFF  }
0x83: {  	_ =	strace $0x90000047  }
0x84: {  	s0 =	stileid.u32;
	[bflag:$0x2] =	sbarrier.arrive $0xFFFF  }
0x85: {  	p0 =	sne.s32 s0, $0x0;
	s0 =	rddreg [dreg:$0x4]  }
0x86: {  	s0 =	sadd.s32 @!p0 $0x100000, s0  }
0x87: {  	[sflag:s0] =	ssyncadd.tile.s32 @!p0 $0x1;
	_ =	shalt  }
.Lfunc_end2:
_tile_overlayer_lowered:
.L_overlay_start_2:
0x88: {  	(tag) =	ssettag $0x2  }
0x89: {  	s0 =	rddreg [dreg:$0x0];
	s2 =	stileid.u32  }
0x8a: {  	s1 =	rddreg [dreg:$0x1];
	p0 =	sne.s32 s2, $0x0  }
0x8b: {  	s3 =	rddreg [dreg:$0x2];
	[bflag:$0x3] =	sbarrier.arrive $0xFFFF;
	s2 =	simm.s32 @!p0 $0x1C07  }
0x8c: {  	[timem:s3], [sflag:s2] =	dma.local @!p0 [hbm:s0], s1  }
0x8d: {  	s0 =	simm.s32 @!p0 $0x7  }
0x8e: {  	_ =	swait.ge @!p0 [sflag:s0], s1  }
0x8f: {  	s1 =	ssub.s32 @!p0 $0x0, s1;
	[sflag:s0] =	ssyncset.done @!p0 $0x0  }
0x90: {  	[sflag:s0] =	ssyncadd.s32 @!p0 s1  }
0x91: {  	[bflag:$0x3] =	sbarrier.arrive $0xFFFF  }
0x92: {  	_ =	shalt  }

</sc_bundles>
